<compile_context>
chip_gen: v7x
topology: tpu7x:2x2x1
jax: 0.10.2.dev20260603
libtpu: 0.0.44.dev20260713+nightly
codegen_flags: <defaults>
</compile_context>

<pallas_src>
import functools

import jax
import jax.numpy as jnp
from jax import lax
from jax.experimental import pallas as pl
from jax.experimental.pallas import tpu as pltpu
from jax.experimental.pallas import tpu_sc as plsc

E = 8
TOPK = 2
DMODEL = 1024
DFF = 512
NGROUPS = 2
GROUP_SIZE = E // NGROUPS
N_TOKENS = 2048

_SC_INFO = plsc.get_sparse_core_info()
_NC = _SC_INFO.num_cores
_NS = _SC_INFO.num_subcores
_NW = _NC * _NS
_LANES = _SC_INFO.num_lanes
_TOK_PER_W = N_TOKENS // _NW


def _logits_kernel(x_ref, gw_ref, lt_ref, xbf_ref):
    xbf_ref[...] = x_ref[...].astype(jnp.bfloat16)
    lt = jax.lax.dot_general(
        gw_ref[...], x_ref[...], (((0,), (1,)), ((), ())),
        preferred_element_type=jnp.float32)
    for wdx in range(_NW):
        lt_ref[wdx] = lt[:, wdx * _TOK_PER_W:(wdx + 1) * _TOK_PER_W]


def _sc_route_kernel(lt3_hbm, a0_hbm, a1_hbm, w0_hbm, w1_hbm,
                     lt_v, a0_v, a1_v, w0_v, w1_v):
    wid = lax.axis_index("s") * _NC + lax.axis_index("c")
    base = wid * _TOK_PER_W
    pltpu.sync_copy(lt3_hbm.at[wid], lt_v)
    for j in range(_TOK_PER_W // _LANES):
        sl = pl.ds(j * _LANES, _LANES)
        l = [lt_v[e, sl] for e in range(E)]
        m0 = l[0]
        a0 = jnp.full((_LANES,), 0, jnp.int32)
        m1 = l[GROUP_SIZE]
        a1 = jnp.full((_LANES,), GROUP_SIZE, jnp.int32)
        for i in range(1, GROUP_SIZE):
            gt0 = l[i] > m0
            a0 = jnp.where(gt0, i, a0)
            m0 = jnp.where(gt0, l[i], m0)
            gt1 = l[GROUP_SIZE + i] > m1
            a1 = jnp.where(gt1, GROUP_SIZE + i, a1)
            m1 = jnp.where(gt1, l[GROUP_SIZE + i], m1)
        mm = jnp.maximum(m0, m1)
        e0 = jnp.exp(m0 - mm)
        e1 = jnp.exp(m1 - mm)
        den = e0 + e1
        a0_v[sl] = a0
        a1_v[sl] = a1
        w0_v[sl] = e0 / den
        w1_v[sl] = e1 / den
    pltpu.sync_copy(a0_v, a0_hbm.at[pl.ds(base, _TOK_PER_W)])
    pltpu.sync_copy(a1_v, a1_hbm.at[pl.ds(base, _TOK_PER_W)])
    pltpu.sync_copy(w0_v, w0_hbm.at[pl.ds(base, _TOK_PER_W)])
    pltpu.sync_copy(w1_v, w1_hbm.at[pl.ds(base, _TOK_PER_W)])


def _sc_route(lt3):
    mesh = plsc.VectorSubcoreMesh(core_axis_name="c", subcore_axis_name="s")
    f = functools.partial(
        pl.kernel,
        mesh=mesh,
        compiler_params=pltpu.CompilerParams(needs_layout_passes=False),
        out_type=(
            jax.ShapeDtypeStruct((N_TOKENS,), jnp.int32),
            jax.ShapeDtypeStruct((N_TOKENS,), jnp.int32),
            jax.ShapeDtypeStruct((N_TOKENS,), jnp.float32),
            jax.ShapeDtypeStruct((N_TOKENS,), jnp.float32),
        ),
        scratch_types=[
            pltpu.VMEM((E, _TOK_PER_W), jnp.float32),
            pltpu.VMEM((_TOK_PER_W,), jnp.int32),
            pltpu.VMEM((_TOK_PER_W,), jnp.int32),
            pltpu.VMEM((_TOK_PER_W,), jnp.float32),
            pltpu.VMEM((_TOK_PER_W,), jnp.float32),
        ],
    )(_sc_route_kernel)
    return f(lt3)


def _ffn_kernel(a0_ref, a1_ref, w0_ref, w1_ref, x_ref, w1w_ref, w3w_ref,
                w2w_ref, out_ref):
    e = pl.program_id(0)
    comb = (jnp.where(a0_ref[...] == e, w0_ref[...], 0.0)
            + jnp.where(a1_ref[...] == e, w1_ref[...], 0.0))
    x = x_ref[...]
    a = jax.lax.dot_general(x, w1w_ref[0].astype(jnp.bfloat16),
                            (((1,), (1,)), ((), ())),
                            preferred_element_type=jnp.float32)
    b = jax.lax.dot_general(x, w3w_ref[0].astype(jnp.bfloat16),
                            (((1,), (1,)), ((), ())),
                            preferred_element_type=jnp.float32)
    h = (a * jax.nn.sigmoid(a) * b).astype(jnp.bfloat16)
    y = jax.lax.dot_general(h, w2w_ref[0].astype(jnp.bfloat16),
                            (((1,), (1,)), ((), ())),
                            preferred_element_type=jnp.float32)
    contrib = comb * y

    @pl.when(e == 0)
    def _():
        out_ref[...] = contrib

    @pl.when(e > 0)
    def _():
        out_ref[...] += contrib


@jax.jit
def kernel(hidden_states, gate_w, w1, w3, w2):
    lt3, x_bf = pl.pallas_call(
        _logits_kernel,
        out_shape=(
            jax.ShapeDtypeStruct((_NW, E, _TOK_PER_W), jnp.float32),
            jax.ShapeDtypeStruct((N_TOKENS, DMODEL), jnp.bfloat16),
        ),
    )(hidden_states, gate_w)

    a0, a1, wt0, wt1 = _sc_route(lt3)
    a0 = a0.reshape(N_TOKENS, 1)
    a1 = a1.reshape(N_TOKENS, 1)
    wt0 = wt0.reshape(N_TOKENS, 1)
    wt1 = wt1.reshape(N_TOKENS, 1)

    out = pl.pallas_call(
        _ffn_kernel,
        grid=(E,),
        in_specs=[
            pl.BlockSpec((N_TOKENS, 1), lambda e: (0, 0)),
            pl.BlockSpec((N_TOKENS, 1), lambda e: (0, 0)),
            pl.BlockSpec((N_TOKENS, 1), lambda e: (0, 0)),
            pl.BlockSpec((N_TOKENS, 1), lambda e: (0, 0)),
            pl.BlockSpec((N_TOKENS, DMODEL), lambda e: (0, 0)),
            pl.BlockSpec((1, DFF, DMODEL), lambda e: (e, 0, 0)),
            pl.BlockSpec((1, DFF, DMODEL), lambda e: (e, 0, 0)),
            pl.BlockSpec((1, DMODEL, DFF), lambda e: (e, 0, 0)),
        ],
        out_specs=pl.BlockSpec((N_TOKENS, DMODEL), lambda e: (0, 0)),
        out_shape=jax.ShapeDtypeStruct((N_TOKENS, DMODEL), jnp.float32),
    )(a0, a1, wt0, wt1, x_bf, w1, w3, w2)
    return out

# --- scband reference (transcript-rebuilt; emitter-appended) ---
"""Pipeline reference for scband-intern-s1-pro-moe-sparse-moe-block-83597243449695 (READ-ONLY COPY).

The authoritative reference and input builder live on the scoring server;
editing this copy changes nothing except your own understanding.
"""

import jax, jax.numpy as jnp
import numpy as np

E = 8
TOPK = 2
DMODEL = 1024
DFF = 512
NGROUPS = 2
N_TOKENS = 2048


def setup_inputs(seed: int = 0) -> dict:
    key = jax.random.key(seed)
    ks = jax.random.split(key, 5)
    hidden_states = jax.random.normal(ks[0], (N_TOKENS, DMODEL), dtype=jnp.float32)
    gate_w = jax.random.normal(ks[1], (DMODEL, E), dtype=jnp.float32) * 0.02
    w1 = jax.random.normal(ks[2], (E, DFF, DMODEL), dtype=jnp.float32) * 0.02  # gate_proj per expert
    w3 = jax.random.normal(ks[3], (E, DFF, DMODEL), dtype=jnp.float32) * 0.02  # up_proj per expert
    w2 = jax.random.normal(ks[4], (E, DMODEL, DFF), dtype=jnp.float32) * 0.02  # down_proj per expert
    return {"hidden_states": hidden_states, "gate_w": gate_w, "w1": w1, "w3": w3, "w2": w2}


def _route(hidden_states, gate_w):
    # ReplicatedLinear gate (no bias) -> router logits
    router_logits = hidden_states @ gate_w
    # _custom_routing_function: softmax in fp32, grouped top-k, renormalize
    routing_weights = jax.nn.softmax(router_logits.astype(jnp.float32), axis=-1)
    n_tokens = routing_weights.shape[0]
    per_group_top_k = TOPK // NGROUPS
    group_size = E // NGROUPS
    rw = routing_weights.reshape(n_tokens, NGROUPS, group_size)
    topk_w, topk_ids = jax.lax.top_k(rw, per_group_top_k)  # [N, n_groups, per_group_top_k]
    group_offsets = (jnp.arange(NGROUPS, dtype=topk_ids.dtype) * group_size).reshape(1, NGROUPS, 1)
    topk_ids = (topk_ids + group_offsets).reshape(n_tokens, TOPK)
    topk_w = topk_w.reshape(n_tokens, TOPK)
    # renormalize (norm_topk_prob=True)
    topk_w = topk_w / jnp.sum(topk_w, axis=-1, keepdims=True)
    return topk_w, topk_ids


def reference(hidden_states, gate_w, w1, w3, w2):
    n_tokens, hidden_dim = hidden_states.shape
    topk_w, topk_ids = _route(hidden_states, gate_w)
    # scatter top-k combine weights into a dense [n_tokens, E] combine matrix
    combine = jnp.zeros((n_tokens, E), dtype=jnp.float32)
    combine = combine.at[jnp.arange(n_tokens)[:, None], topk_ids].add(topk_w)
    # FusedMoE: per-expert SiLU-gated MLP, weighted combine (reduce_results=True)
    out = jnp.zeros((n_tokens, hidden_dim), dtype=hidden_states.dtype)
    for e in range(E):
        h = jax.nn.silu(hidden_states @ w1[e].T) * (hidden_states @ w3[e].T)
        y = h @ w2[e].T
        out = out + combine[:, e:e + 1].astype(hidden_states.dtype) * y
    return out

if __name__ == "__main__":
    import jax
    _d = setup_inputs()
    print(jax.jit(kernel)(*tuple(_d.values())))

</pallas_src>

<mosaic_0001>
#map = affine_map<(d0, d1) -> (0, 0, 0)>
#map1 = affine_map<(d0, d1) -> (0)>
module attributes {stable_mosaic.version = 14 : i64} {
  func.func @_sc_route_kernel(%arg0: i32, %arg1: i32, %arg2: memref<32x8x64xf32, #tpu.memory_space<hbm>>, %arg3: memref<2048xi32, #tpu.memory_space<hbm>>, %arg4: memref<2048xi32, #tpu.memory_space<hbm>>, %arg5: memref<2048xf32, #tpu.memory_space<hbm>>, %arg6: memref<2048xf32, #tpu.memory_space<hbm>>, %arg7: memref<8x64xf32, #tpu.memory_space<vmem>>, %arg8: memref<64xi32, #tpu.memory_space<vmem>>, %arg9: memref<64xi32, #tpu.memory_space<vmem>>, %arg10: memref<64xf32, #tpu.memory_space<vmem>>, %arg11: memref<64xf32, #tpu.memory_space<vmem>>) attributes {dimension_semantics = [#tpu.dimension_semantics<core_parallel>, #tpu.dimension_semantics<subcore_parallel>], iteration_bounds = array<i64: 2, 16>, scalar_prefetch = 0 : i64, scratch_operands = 5 : i64, tpu.core_type = #tpu.core_type<sc_vector_subcore>, window_params = [{transform_indices = #map}, {transform_indices = #map1}, {transform_indices = #map1}, {transform_indices = #map1}, {transform_indices = #map1}]} {
    %mul3A = arith.constant 2 : i32
    %mul3A_0 = arith.muli %arg1, %mul3A : i32
    %add3A = arith.addi %mul3A_0, %arg0 : i32
    %mul3A_1 = arith.constant 64 : i32
    %mul3A_2 = arith.muli %add3A, %mul3A_1 : i32
    "tpu.region"() ({
      %run_scoped3A = tpu.sem_alloc : memref<!tpu.dma_semaphore, #tpu.memory_space<semaphore_mem>>
      %dma_start3A = arith.constant 0 : i32
      %dma_start3A_321 = arith.constant 0 : i32
      %dma_start3A_322 = tpu.memref_slice %arg2[%add3A, %dma_start3A, %dma_start3A_321] : memref<32x8x64xf32, #tpu.memory_space<hbm>> -> memref<1x8x64xf32, #tpu.memory_space<hbm>>
      %dma_start3A_323 = tpu.memref_squeeze %dma_start3A_322 : memref<1x8x64xf32, #tpu.memory_space<hbm>> -> memref<8x64xf32, #tpu.memory_space<hbm>>
      %dma_start3A_324 = arith.constant 0 : i32
      %dma_start3A_325 = arith.constant 0 : i32
      %dma_start3A_326 = tpu.memref_slice %arg2[%add3A, %dma_start3A_324, %dma_start3A_325] : memref<32x8x64xf32, #tpu.memory_space<hbm>> -> memref<1x8x64xf32, #tpu.memory_space<hbm>>
      %dma_start3A_327 = tpu.memref_squeeze %dma_start3A_326 : memref<1x8x64xf32, #tpu.memory_space<hbm>> -> memref<8x64xf32, #tpu.memory_space<hbm>>
      tpu.enqueue_dma source(%dma_start3A_327 : memref<8x64xf32, #tpu.memory_space<hbm>>) target(%arg7 : memref<8x64xf32, #tpu.memory_space<vmem>>) target_semaphore(%run_scoped3A : memref<!tpu.dma_semaphore, #tpu.memory_space<semaphore_mem>>)
      %dma_wait3A = arith.constant 0 : i32
      %dma_wait3A_328 = arith.constant 0 : i32
      %dma_wait3A_329 = tpu.memref_slice %arg2[%add3A, %dma_wait3A, %dma_wait3A_328] : memref<32x8x64xf32, #tpu.memory_space<hbm>> -> memref<1x8x64xf32, #tpu.memory_space<hbm>>
      %dma_wait3A_330 = tpu.memref_squeeze %dma_wait3A_329 : memref<1x8x64xf32, #tpu.memory_space<hbm>> -> memref<8x64xf32, #tpu.memory_space<hbm>>
      %dma_wait3A_331 = arith.constant 0 : i32
      %dma_wait3A_332 = arith.constant 0 : i32
      %dma_wait3A_333 = tpu.memref_slice %arg2[%add3A, %dma_wait3A_331, %dma_wait3A_332] : memref<32x8x64xf32, #tpu.memory_space<hbm>> -> memref<1x8x64xf32, #tpu.memory_space<hbm>>
      %dma_wait3A_334 = tpu.memref_squeeze %dma_wait3A_333 : memref<1x8x64xf32, #tpu.memory_space<hbm>> -> memref<8x64xf32, #tpu.memory_space<hbm>>
      tpu.wait_dma2 semaphore(%run_scoped3A : memref<!tpu.dma_semaphore, #tpu.memory_space<semaphore_mem>>) src(%dma_wait3A_334 : memref<8x64xf32, #tpu.memory_space<hbm>>) dst(%arg7 : memref<8x64xf32, #tpu.memory_space<vmem>>)
      tpu.yield
    }) : () -> ()
    %get3A = arith.constant 0 : i32
    %get3A_3 = arith.index_cast %get3A : i32 to index
    %get3A_4 = arith.constant 0 : index
    %get3A_5 = tpu.vector_load %arg7[%get3A_3, %get3A_4] {strides = array<i32>} : memref<8x64xf32, #tpu.memory_space<vmem>>, vector<16xf32>,
    %get3A_6 = arith.constant 1 : i32
    %get3A_7 = arith.index_cast %get3A_6 : i32 to index
    %get3A_8 = arith.constant 0 : index
    %get3A_9 = tpu.vector_load %arg7[%get3A_7, %get3A_8] {strides = array<i32>} : memref<8x64xf32, #tpu.memory_space<vmem>>, vector<16xf32>,
    %get3A_10 = arith.constant 2 : i32
    %get3A_11 = arith.index_cast %get3A_10 : i32 to index
    %get3A_12 = arith.constant 0 : index
    %get3A_13 = tpu.vector_load %arg7[%get3A_11, %get3A_12] {strides = array<i32>} : memref<8x64xf32, #tpu.memory_space<vmem>>, vector<16xf32>,
    %get3A_14 = arith.constant 3 : i32
    %get3A_15 = arith.index_cast %get3A_14 : i32 to index
    %get3A_16 = arith.constant 0 : index
    %get3A_17 = tpu.vector_load %arg7[%get3A_15, %get3A_16] {strides = array<i32>} : memref<8x64xf32, #tpu.memory_space<vmem>>, vector<16xf32>,
    %get3A_18 = arith.constant 4 : i32
    %get3A_19 = arith.index_cast %get3A_18 : i32 to index
    %get3A_20 = arith.constant 0 : index
    %get3A_21 = tpu.vector_load %arg7[%get3A_19, %get3A_20] {strides = array<i32>} : memref<8x64xf32, #tpu.memory_space<vmem>>, vector<16xf32>,
    %get3A_22 = arith.constant 5 : i32
    %get3A_23 = arith.index_cast %get3A_22 : i32 to index
    %get3A_24 = arith.constant 0 : index
    %get3A_25 = tpu.vector_load %arg7[%get3A_23, %get3A_24] {strides = array<i32>} : memref<8x64xf32, #tpu.memory_space<vmem>>, vector<16xf32>,
    %get3A_26 = arith.constant 6 : i32
    %get3A_27 = arith.index_cast %get3A_26 : i32 to index
    %get3A_28 = arith.constant 0 : index
    %get3A_29 = tpu.vector_load %arg7[%get3A_27, %get3A_28] {strides = array<i32>} : memref<8x64xf32, #tpu.memory_space<vmem>>, vector<16xf32>,
    %get3A_30 = arith.constant 7 : i32
    %get3A_31 = arith.index_cast %get3A_30 : i32 to index
    %get3A_32 = arith.constant 0 : index
    %get3A_33 = tpu.vector_load %arg7[%get3A_31, %get3A_32] {strides = array<i32>} : memref<8x64xf32, #tpu.memory_space<vmem>>, vector<16xf32>,
    %broadcast_in_dim3A = arith.constant 0 : i32
    %broadcast_in_dim3A_34 = vector.broadcast %broadcast_in_dim3A : i32 to vector<16xi32>
    %broadcast_in_dim3A_35 = arith.constant 4 : i32
    %broadcast_in_dim3A_36 = vector.broadcast %broadcast_in_dim3A_35 : i32 to vector<16xi32>
    %gt3A = arith.cmpf ogt, %get3A_9, %get3A_5 : vector<16xf32>
    %jit3A = arith.constant 1 : i32
    %broadcast_in_dim3A_37 = vector.broadcast %jit3A : i32 to vector<16xi32>
    %select_n3A = arith.select %gt3A, %broadcast_in_dim3A_37, %broadcast_in_dim3A_34 : vector<16xi1>, vector<16xi32>
    %select_n3A_38 = arith.select %gt3A, %get3A_9, %get3A_5 : vector<16xi1>, vector<16xf32>
    %gt3A_39 = arith.cmpf ogt, %get3A_25, %get3A_21 : vector<16xf32>
    %jit3A_40 = arith.constant 5 : i32
    %broadcast_in_dim3A_41 = vector.broadcast %jit3A_40 : i32 to vector<16xi32>
    %select_n3A_42 = arith.select %gt3A_39, %broadcast_in_dim3A_41, %broadcast_in_dim3A_36 : vector<16xi1>, vector<16xi32>
    %select_n3A_43 = arith.select %gt3A_39, %get3A_25, %get3A_21 : vector<16xi1>, vector<16xf32>
    %gt3A_44 = arith.cmpf ogt, %get3A_13, %select_n3A_38 : vector<16xf32>
    %jit3A_45 = arith.constant 2 : i32
    %broadcast_in_dim3A_46 = vector.broadcast %jit3A_45 : i32 to vector<16xi32>
    %select_n3A_47 = arith.select %gt3A_44, %broadcast_in_dim3A_46, %select_n3A : vector<16xi1>, vector<16xi32>
    %select_n3A_48 = arith.select %gt3A_44, %get3A_13, %select_n3A_38 : vector<16xi1>, vector<16xf32>
    %gt3A_49 = arith.cmpf ogt, %get3A_29, %select_n3A_43 : vector<16xf32>
    %jit3A_50 = arith.constant 6 : i32
    %broadcast_in_dim3A_51 = vector.broadcast %jit3A_50 : i32 to vector<16xi32>
    %select_n3A_52 = arith.select %gt3A_49, %broadcast_in_dim3A_51, %select_n3A_42 : vector<16xi1>, vector<16xi32>
    %select_n3A_53 = arith.select %gt3A_49, %get3A_29, %select_n3A_43 : vector<16xi1>, vector<16xf32>
    %gt3A_54 = arith.cmpf ogt, %get3A_17, %select_n3A_48 : vector<16xf32>
    %jit3A_55 = arith.constant 3 : i32
    %broadcast_in_dim3A_56 = vector.broadcast %jit3A_55 : i32 to vector<16xi32>
    %select_n3A_57 = arith.select %gt3A_54, %broadcast_in_dim3A_56, %select_n3A_47 : vector<16xi1>, vector<16xi32>
    %select_n3A_58 = arith.select %gt3A_54, %get3A_17, %select_n3A_48 : vector<16xi1>, vector<16xf32>
    %gt3A_59 = arith.cmpf ogt, %get3A_33, %select_n3A_53 : vector<16xf32>
    %jit3A_60 = arith.constant 7 : i32
    %broadcast_in_dim3A_61 = vector.broadcast %jit3A_60 : i32 to vector<16xi32>
    %select_n3A_62 = arith.select %gt3A_59, %broadcast_in_dim3A_61, %select_n3A_52 : vector<16xi1>, vector<16xi32>
    %select_n3A_63 = arith.select %gt3A_59, %get3A_33, %select_n3A_53 : vector<16xi1>, vector<16xf32>
    %max3A = arith.maximumf %select_n3A_58, %select_n3A_63 : vector<16xf32>
    %sub3A = arith.subf %select_n3A_58, %max3A : vector<16xf32>
    %exp3A = math.exp %sub3A : vector<16xf32>
    %sub3A_64 = arith.subf %select_n3A_63, %max3A : vector<16xf32>
    %exp3A_65 = math.exp %sub3A_64 : vector<16xf32>
    %add3A_66 = arith.addf %exp3A, %exp3A_65 : vector<16xf32>
    %swap3A = arith.constant 0 : index
    %swap3A_67 = tpu.vector_load %arg8[%swap3A] {strides = array<i32>} : memref<64xi32, #tpu.memory_space<vmem>>, vector<16xi32>,
    tpu.vector_store %arg8[%swap3A], %select_n3A_57 {strides = array<i32>} : memref<64xi32, #tpu.memory_space<vmem>>, vector<16xi32>,
    %swap3A_68 = arith.constant 0 : index
    %swap3A_69 = tpu.vector_load %arg9[%swap3A_68] {strides = array<i32>} : memref<64xi32, #tpu.memory_space<vmem>>, vector<16xi32>,
    tpu.vector_store %arg9[%swap3A_68], %select_n3A_62 {strides = array<i32>} : memref<64xi32, #tpu.memory_space<vmem>>, vector<16xi32>,
    %div3A = arith.divf %exp3A, %add3A_66 : vector<16xf32>
    %swap3A_70 = arith.constant 0 : index
    %swap3A_71 = tpu.vector_load %arg10[%swap3A_70] {strides = array<i32>} : memref<64xf32, #tpu.memory_space<vmem>>, vector<16xf32>,
    tpu.vector_store %arg10[%swap3A_70], %div3A {strides = array<i32>} : memref<64xf32, #tpu.memory_space<vmem>>, vector<16xf32>,
    %div3A_72 = arith.divf %exp3A_65, %add3A_66 : vector<16xf32>
    %swap3A_73 = arith.constant 0 : index
    %swap3A_74 = tpu.vector_load %arg11[%swap3A_73] {strides = array<i32>} : memref<64xf32, #tpu.memory_space<vmem>>, vector<16xf32>,
    tpu.vector_store %arg11[%swap3A_73], %div3A_72 {strides = array<i32>} : memref<64xf32, #tpu.memory_space<vmem>>, vector<16xf32>,
    %get3A_75 = arith.constant 0 : i32
    %get3A_76 = arith.index_cast %get3A_75 : i32 to index
    %get3A_77 = arith.constant 16 : index
    %get3A_78 = tpu.vector_load %arg7[%get3A_76, %get3A_77] {strides = array<i32>} : memref<8x64xf32, #tpu.memory_space<vmem>>, vector<16xf32>,
    %get3A_79 = arith.constant 1 : i32
    %get3A_80 = arith.index_cast %get3A_79 : i32 to index
    %get3A_81 = arith.constant 16 : index
    %get3A_82 = tpu.vector_load %arg7[%get3A_80, %get3A_81] {strides = array<i32>} : memref<8x64xf32, #tpu.memory_space<vmem>>, vector<16xf32>,
    %get3A_83 = arith.constant 2 : i32
    %get3A_84 = arith.index_cast %get3A_83 : i32 to index
    %get3A_85 = arith.constant 16 : index
    %get3A_86 = tpu.vector_load %arg7[%get3A_84, %get3A_85] {strides = array<i32>} : memref<8x64xf32, #tpu.memory_space<vmem>>, vector<16xf32>,
    %get3A_87 = arith.constant 3 : i32
    %get3A_88 = arith.index_cast %get3A_87 : i32 to index
    %get3A_89 = arith.constant 16 : index
    %get3A_90 = tpu.vector_load %arg7[%get3A_88, %get3A_89] {strides = array<i32>} : memref<8x64xf32, #tpu.memory_space<vmem>>, vector<16xf32>,
    %get3A_91 = arith.constant 4 : i32
    %get3A_92 = arith.index_cast %get3A_91 : i32 to index
    %get3A_93 = arith.constant 16 : index
    %get3A_94 = tpu.vector_load %arg7[%get3A_92, %get3A_93] {strides = array<i32>} : memref<8x64xf32, #tpu.memory_space<vmem>>, vector<16xf32>,
    %get3A_95 = arith.constant 5 : i32
    %get3A_96 = arith.index_cast %get3A_95 : i32 to index
    %get3A_97 = arith.constant 16 : index
    %get3A_98 = tpu.vector_load %arg7[%get3A_96, %get3A_97] {strides = array<i32>} : memref<8x64xf32, #tpu.memory_space<vmem>>, vector<16xf32>,
    %get3A_99 = arith.constant 6 : i32
    %get3A_100 = arith.index_cast %get3A_99 : i32 to index
    %get3A_101 = arith.constant 16 : index
    %get3A_102 = tpu.vector_load %arg7[%get3A_100, %get3A_101] {strides = array<i32>} : memref<8x64xf32, #tpu.memory_space<vmem>>, vector<16xf32>,
    %get3A_103 = arith.constant 7 : i32
    %get3A_104 = arith.index_cast %get3A_103 : i32 to index
    %get3A_105 = arith.constant 16 : index
    %get3A_106 = tpu.vector_load %arg7[%get3A_104, %get3A_105] {strides = array<i32>} : memref<8x64xf32, #tpu.memory_space<vmem>>, vector<16xf32>,
    %broadcast_in_dim3A_107 = arith.constant 0 : i32
    %broadcast_in_dim3A_108 = vector.broadcast %broadcast_in_dim3A_107 : i32 to vector<16xi32>
    %broadcast_in_dim3A_109 = arith.constant 4 : i32
    %broadcast_in_dim3A_110 = vector.broadcast %broadcast_in_dim3A_109 : i32 to vector<16xi32>
    %gt3A_111 = arith.cmpf ogt, %get3A_82, %get3A_78 : vector<16xf32>
    %jit3A_112 = arith.constant 1 : i32
    %broadcast_in_dim3A_113 = vector.broadcast %jit3A_112 : i32 to vector<16xi32>
    %select_n3A_114 = arith.select %gt3A_111, %broadcast_in_dim3A_113, %broadcast_in_dim3A_108 : vector<16xi1>, vector<16xi32>
    %select_n3A_115 = arith.select %gt3A_111, %get3A_82, %get3A_78 : vector<16xi1>, vector<16xf32>
    %gt3A_116 = arith.cmpf ogt, %get3A_98, %get3A_94 : vector<16xf32>
    %jit3A_117 = arith.constant 5 : i32
    %broadcast_in_dim3A_118 = vector.broadcast %jit3A_117 : i32 to vector<16xi32>
    %select_n3A_119 = arith.select %gt3A_116, %broadcast_in_dim3A_118, %broadcast_in_dim3A_110 : vector<16xi1>, vector<16xi32>
    %select_n3A_120 = arith.select %gt3A_116, %get3A_98, %get3A_94 : vector<16xi1>, vector<16xf32>
    %gt3A_121 = arith.cmpf ogt, %get3A_86, %select_n3A_115 : vector<16xf32>
    %jit3A_122 = arith.constant 2 : i32
    %broadcast_in_dim3A_123 = vector.broadcast %jit3A_122 : i32 to vector<16xi32>
    %select_n3A_124 = arith.select %gt3A_121, %broadcast_in_dim3A_123, %select_n3A_114 : vector<16xi1>, vector<16xi32>
    %select_n3A_125 = arith.select %gt3A_121, %get3A_86, %select_n3A_115 : vector<16xi1>, vector<16xf32>
    %gt3A_126 = arith.cmpf ogt, %get3A_102, %select_n3A_120 : vector<16xf32>
    %jit3A_127 = arith.constant 6 : i32
    %broadcast_in_dim3A_128 = vector.broadcast %jit3A_127 : i32 to vector<16xi32>
    %select_n3A_129 = arith.select %gt3A_126, %broadcast_in_dim3A_128, %select_n3A_119 : vector<16xi1>, vector<16xi32>
    %select_n3A_130 = arith.select %gt3A_126, %get3A_102, %select_n3A_120 : vector<16xi1>, vector<16xf32>
    %gt3A_131 = arith.cmpf ogt, %get3A_90, %select_n3A_125 : vector<16xf32>
    %jit3A_132 = arith.constant 3 : i32
    %broadcast_in_dim3A_133 = vector.broadcast %jit3A_132 : i32 to vector<16xi32>
    %select_n3A_134 = arith.select %gt3A_131, %broadcast_in_dim3A_133, %select_n3A_124 : vector<16xi1>, vector<16xi32>
    %select_n3A_135 = arith.select %gt3A_131, %get3A_90, %select_n3A_125 : vector<16xi1>, vector<16xf32>
    %gt3A_136 = arith.cmpf ogt, %get3A_106, %select_n3A_130 : vector<16xf32>
    %jit3A_137 = arith.constant 7 : i32
    %broadcast_in_dim3A_138 = vector.broadcast %jit3A_137 : i32 to vector<16xi32>
    %select_n3A_139 = arith.select %gt3A_136, %broadcast_in_dim3A_138, %select_n3A_129 : vector<16xi1>, vector<16xi32>
    %select_n3A_140 = arith.select %gt3A_136, %get3A_106, %select_n3A_130 : vector<16xi1>, vector<16xf32>
    %max3A_141 = arith.maximumf %select_n3A_135, %select_n3A_140 : vector<16xf32>
    %sub3A_142 = arith.subf %select_n3A_135, %max3A_141 : vector<16xf32>
    %exp3A_143 = math.exp %sub3A_142 : vector<16xf32>
    %sub3A_144 = arith.subf %select_n3A_140, %max3A_141 : vector<16xf32>
    %exp3A_145 = math.exp %sub3A_144 : vector<16xf32>
    %add3A_146 = arith.addf %exp3A_143, %exp3A_145 : vector<16xf32>
    %swap3A_147 = arith.constant 16 : index
    %swap3A_148 = tpu.vector_load %arg8[%swap3A_147] {strides = array<i32>} : memref<64xi32, #tpu.memory_space<vmem>>, vector<16xi32>,
    tpu.vector_store %arg8[%swap3A_147], %select_n3A_134 {strides = array<i32>} : memref<64xi32, #tpu.memory_space<vmem>>, vector<16xi32>,
    %swap3A_149 = arith.constant 16 : index
    %swap3A_150 = tpu.vector_load %arg9[%swap3A_149] {strides = array<i32>} : memref<64xi32, #tpu.memory_space<vmem>>, vector<16xi32>,
    tpu.vector_store %arg9[%swap3A_149], %select_n3A_139 {strides = array<i32>} : memref<64xi32, #tpu.memory_space<vmem>>, vector<16xi32>,
    %div3A_151 = arith.divf %exp3A_143, %add3A_146 : vector<16xf32>
    %swap3A_152 = arith.constant 16 : index
    %swap3A_153 = tpu.vector_load %arg10[%swap3A_152] {strides = array<i32>} : memref<64xf32, #tpu.memory_space<vmem>>, vector<16xf32>,
    tpu.vector_store %arg10[%swap3A_152], %div3A_151 {strides = array<i32>} : memref<64xf32, #tpu.memory_space<vmem>>, vector<16xf32>,
    %div3A_154 = arith.divf %exp3A_145, %add3A_146 : vector<16xf32>
    %swap3A_155 = arith.constant 16 : index
    %swap3A_156 = tpu.vector_load %arg11[%swap3A_155] {strides = array<i32>} : memref<64xf32, #tpu.memory_space<vmem>>, vector<16xf32>,
    tpu.vector_store %arg11[%swap3A_155], %div3A_154 {strides = array<i32>} : memref<64xf32, #tpu.memory_space<vmem>>, vector<16xf32>,
    %get3A_157 = arith.constant 0 : i32
    %get3A_158 = arith.index_cast %get3A_157 : i32 to index
    %get3A_159 = arith.constant 32 : index
    %get3A_160 = tpu.vector_load %arg7[%get3A_158, %get3A_159] {strides = array<i32>} : memref<8x64xf32, #tpu.memory_space<vmem>>, vector<16xf32>,
    %get3A_161 = arith.constant 1 : i32
    %get3A_162 = arith.index_cast %get3A_161 : i32 to index
    %get3A_163 = arith.constant 32 : index
    %get3A_164 = tpu.vector_load %arg7[%get3A_162, %get3A_163] {strides = array<i32>} : memref<8x64xf32, #tpu.memory_space<vmem>>, vector<16xf32>,
    %get3A_165 = arith.constant 2 : i32
    %get3A_166 = arith.index_cast %get3A_165 : i32 to index
    %get3A_167 = arith.constant 32 : index
    %get3A_168 = tpu.vector_load %arg7[%get3A_166, %get3A_167] {strides = array<i32>} : memref<8x64xf32, #tpu.memory_space<vmem>>, vector<16xf32>,
    %get3A_169 = arith.constant 3 : i32
    %get3A_170 = arith.index_cast %get3A_169 : i32 to index
    %get3A_171 = arith.constant 32 : index
    %get3A_172 = tpu.vector_load %arg7[%get3A_170, %get3A_171] {strides = array<i32>} : memref<8x64xf32, #tpu.memory_space<vmem>>, vector<16xf32>,
    %get3A_173 = arith.constant 4 : i32
    %get3A_174 = arith.index_cast %get3A_173 : i32 to index
    %get3A_175 = arith.constant 32 : index
    %get3A_176 = tpu.vector_load %arg7[%get3A_174, %get3A_175] {strides = array<i32>} : memref<8x64xf32, #tpu.memory_space<vmem>>, vector<16xf32>,
    %get3A_177 = arith.constant 5 : i32
    %get3A_178 = arith.index_cast %get3A_177 : i32 to index
    %get3A_179 = arith.constant 32 : index
    %get3A_180 = tpu.vector_load %arg7[%get3A_178, %get3A_179] {strides = array<i32>} : memref<8x64xf32, #tpu.memory_space<vmem>>, vector<16xf32>,
    %get3A_181 = arith.constant 6 : i32
    %get3A_182 = arith.index_cast %get3A_181 : i32 to index
    %get3A_183 = arith.constant 32 : index
    %get3A_184 = tpu.vector_load %arg7[%get3A_182, %get3A_183] {strides = array<i32>} : memref<8x64xf32, #tpu.memory_space<vmem>>, vector<16xf32>,
    %get3A_185 = arith.constant 7 : i32
    %get3A_186 = arith.index_cast %get3A_185 : i32 to index
    %get3A_187 = arith.constant 32 : index
    %get3A_188 = tpu.vector_load %arg7[%get3A_186, %get3A_187] {strides = array<i32>} : memref<8x64xf32, #tpu.memory_space<vmem>>, vector<16xf32>,
    %broadcast_in_dim3A_189 = arith.constant 0 : i32
    %broadcast_in_dim3A_190 = vector.broadcast %broadcast_in_dim3A_189 : i32 to vector<16xi32>
    %broadcast_in_dim3A_191 = arith.constant 4 : i32
    %broadcast_in_dim3A_192 = vector.broadcast %broadcast_in_dim3A_191 : i32 to vector<16xi32>
    %gt3A_193 = arith.cmpf ogt, %get3A_164, %get3A_160 : vector<16xf32>
    %jit3A_194 = arith.constant 1 : i32
    %broadcast_in_dim3A_195 = vector.broadcast %jit3A_194 : i32 to vector<16xi32>
    %select_n3A_196 = arith.select %gt3A_193, %broadcast_in_dim3A_195, %broadcast_in_dim3A_190 : vector<16xi1>, vector<16xi32>
    %select_n3A_197 = arith.select %gt3A_193, %get3A_164, %get3A_160 : vector<16xi1>, vector<16xf32>
    %gt3A_198 = arith.cmpf ogt, %get3A_180, %get3A_176 : vector<16xf32>
    %jit3A_199 = arith.constant 5 : i32
    %broadcast_in_dim3A_200 = vector.broadcast %jit3A_199 : i32 to vector<16xi32>
    %select_n3A_201 = arith.select %gt3A_198, %broadcast_in_dim3A_200, %broadcast_in_dim3A_192 : vector<16xi1>, vector<16xi32>
    %select_n3A_202 = arith.select %gt3A_198, %get3A_180, %get3A_176 : vector<16xi1>, vector<16xf32>
    %gt3A_203 = arith.cmpf ogt, %get3A_168, %select_n3A_197 : vector<16xf32>
    %jit3A_204 = arith.constant 2 : i32
    %broadcast_in_dim3A_205 = vector.broadcast %jit3A_204 : i32 to vector<16xi32>
    %select_n3A_206 = arith.select %gt3A_203, %broadcast_in_dim3A_205, %select_n3A_196 : vector<16xi1>, vector<16xi32>
    %select_n3A_207 = arith.select %gt3A_203, %get3A_168, %select_n3A_197 : vector<16xi1>, vector<16xf32>
    %gt3A_208 = arith.cmpf ogt, %get3A_184, %select_n3A_202 : vector<16xf32>
    %jit3A_209 = arith.constant 6 : i32
    %broadcast_in_dim3A_210 = vector.broadcast %jit3A_209 : i32 to vector<16xi32>
    %select_n3A_211 = arith.select %gt3A_208, %broadcast_in_dim3A_210, %select_n3A_201 : vector<16xi1>, vector<16xi32>
    %select_n3A_212 = arith.select %gt3A_208, %get3A_184, %select_n3A_202 : vector<16xi1>, vector<16xf32>
    %gt3A_213 = arith.cmpf ogt, %get3A_172, %select_n3A_207 : vector<16xf32>
    %jit3A_214 = arith.constant 3 : i32
    %broadcast_in_dim3A_215 = vector.broadcast %jit3A_214 : i32 to vector<16xi32>
    %select_n3A_216 = arith.select %gt3A_213, %broadcast_in_dim3A_215, %select_n3A_206 : vector<16xi1>, vector<16xi32>
    %select_n3A_217 = arith.select %gt3A_213, %get3A_172, %select_n3A_207 : vector<16xi1>, vector<16xf32>
    %gt3A_218 = arith.cmpf ogt, %get3A_188, %select_n3A_212 : vector<16xf32>
    %jit3A_219 = arith.constant 7 : i32
    %broadcast_in_dim3A_220 = vector.broadcast %jit3A_219 : i32 to vector<16xi32>
    %select_n3A_221 = arith.select %gt3A_218, %broadcast_in_dim3A_220, %select_n3A_211 : vector<16xi1>, vector<16xi32>
    %select_n3A_222 = arith.select %gt3A_218, %get3A_188, %select_n3A_212 : vector<16xi1>, vector<16xf32>
    %max3A_223 = arith.maximumf %select_n3A_217, %select_n3A_222 : vector<16xf32>
    %sub3A_224 = arith.subf %select_n3A_217, %max3A_223 : vector<16xf32>
    %exp3A_225 = math.exp %sub3A_224 : vector<16xf32>
    %sub3A_226 = arith.subf %select_n3A_222, %max3A_223 : vector<16xf32>
    %exp3A_227 = math.exp %sub3A_226 : vector<16xf32>
    %add3A_228 = arith.addf %exp3A_225, %exp3A_227 : vector<16xf32>
    %swap3A_229 = arith.constant 32 : index
    %swap3A_230 = tpu.vector_load %arg8[%swap3A_229] {strides = array<i32>} : memref<64xi32, #tpu.memory_space<vmem>>, vector<16xi32>,
    tpu.vector_store %arg8[%swap3A_229], %select_n3A_216 {strides = array<i32>} : memref<64xi32, #tpu.memory_space<vmem>>, vector<16xi32>,
    %swap3A_231 = arith.constant 32 : index
    %swap3A_232 = tpu.vector_load %arg9[%swap3A_231] {strides = array<i32>} : memref<64xi32, #tpu.memory_space<vmem>>, vector<16xi32>,
    tpu.vector_store %arg9[%swap3A_231], %select_n3A_221 {strides = array<i32>} : memref<64xi32, #tpu.memory_space<vmem>>, vector<16xi32>,
    %div3A_233 = arith.divf %exp3A_225, %add3A_228 : vector<16xf32>
    %swap3A_234 = arith.constant 32 : index
    %swap3A_235 = tpu.vector_load %arg10[%swap3A_234] {strides = array<i32>} : memref<64xf32, #tpu.memory_space<vmem>>, vector<16xf32>,
    tpu.vector_store %arg10[%swap3A_234], %div3A_233 {strides = array<i32>} : memref<64xf32, #tpu.memory_space<vmem>>, vector<16xf32>,
    %div3A_236 = arith.divf %exp3A_227, %add3A_228 : vector<16xf32>
    %swap3A_237 = arith.constant 32 : index
    %swap3A_238 = tpu.vector_load %arg11[%swap3A_237] {strides = array<i32>} : memref<64xf32, #tpu.memory_space<vmem>>, vector<16xf32>,
    tpu.vector_store %arg11[%swap3A_237], %div3A_236 {strides = array<i32>} : memref<64xf32, #tpu.memory_space<vmem>>, vector<16xf32>,
    %get3A_239 = arith.constant 0 : i32
    %get3A_240 = arith.index_cast %get3A_239 : i32 to index
    %get3A_241 = arith.constant 48 : index
    %get3A_242 = tpu.vector_load %arg7[%get3A_240, %get3A_241] {strides = array<i32>} : memref<8x64xf32, #tpu.memory_space<vmem>>, vector<16xf32>,
    %get3A_243 = arith.constant 1 : i32
    %get3A_244 = arith.index_cast %get3A_243 : i32 to index
    %get3A_245 = arith.constant 48 : index
    %get3A_246 = tpu.vector_load %arg7[%get3A_244, %get3A_245] {strides = array<i32>} : memref<8x64xf32, #tpu.memory_space<vmem>>, vector<16xf32>,
    %get3A_247 = arith.constant 2 : i32
    %get3A_248 = arith.index_cast %get3A_247 : i32 to index
    %get3A_249 = arith.constant 48 : index
    %get3A_250 = tpu.vector_load %arg7[%get3A_248, %get3A_249] {strides = array<i32>} : memref<8x64xf32, #tpu.memory_space<vmem>>, vector<16xf32>,
    %get3A_251 = arith.constant 3 : i32
    %get3A_252 = arith.index_cast %get3A_251 : i32 to index
    %get3A_253 = arith.constant 48 : index
    %get3A_254 = tpu.vector_load %arg7[%get3A_252, %get3A_253] {strides = array<i32>} : memref<8x64xf32, #tpu.memory_space<vmem>>, vector<16xf32>,
    %get3A_255 = arith.constant 4 : i32
    %get3A_256 = arith.index_cast %get3A_255 : i32 to index
    %get3A_257 = arith.constant 48 : index
    %get3A_258 = tpu.vector_load %arg7[%get3A_256, %get3A_257] {strides = array<i32>} : memref<8x64xf32, #tpu.memory_space<vmem>>, vector<16xf32>,
    %get3A_259 = arith.constant 5 : i32
    %get3A_260 = arith.index_cast %get3A_259 : i32 to index
    %get3A_261 = arith.constant 48 : index
    %get3A_262 = tpu.vector_load %arg7[%get3A_260, %get3A_261] {strides = array<i32>} : memref<8x64xf32, #tpu.memory_space<vmem>>, vector<16xf32>,
    %get3A_263 = arith.constant 6 : i32
    %get3A_264 = arith.index_cast %get3A_263 : i32 to index
    %get3A_265 = arith.constant 48 : index
    %get3A_266 = tpu.vector_load %arg7[%get3A_264, %get3A_265] {strides = array<i32>} : memref<8x64xf32, #tpu.memory_space<vmem>>, vector<16xf32>,
    %get3A_267 = arith.constant 7 : i32
    %get3A_268 = arith.index_cast %get3A_267 : i32 to index
    %get3A_269 = arith.constant 48 : index
    %get3A_270 = tpu.vector_load %arg7[%get3A_268, %get3A_269] {strides = array<i32>} : memref<8x64xf32, #tpu.memory_space<vmem>>, vector<16xf32>,
    %broadcast_in_dim3A_271 = arith.constant 0 : i32
    %broadcast_in_dim3A_272 = vector.broadcast %broadcast_in_dim3A_271 : i32 to vector<16xi32>
    %broadcast_in_dim3A_273 = arith.constant 4 : i32
    %broadcast_in_dim3A_274 = vector.broadcast %broadcast_in_dim3A_273 : i32 to vector<16xi32>
    %gt3A_275 = arith.cmpf ogt, %get3A_246, %get3A_242 : vector<16xf32>
    %jit3A_276 = arith.constant 1 : i32
    %broadcast_in_dim3A_277 = vector.broadcast %jit3A_276 : i32 to vector<16xi32>
    %select_n3A_278 = arith.select %gt3A_275, %broadcast_in_dim3A_277, %broadcast_in_dim3A_272 : vector<16xi1>, vector<16xi32>
    %select_n3A_279 = arith.select %gt3A_275, %get3A_246, %get3A_242 : vector<16xi1>, vector<16xf32>
    %gt3A_280 = arith.cmpf ogt, %get3A_262, %get3A_258 : vector<16xf32>
    %jit3A_281 = arith.constant 5 : i32
    %broadcast_in_dim3A_282 = vector.broadcast %jit3A_281 : i32 to vector<16xi32>
    %select_n3A_283 = arith.select %gt3A_280, %broadcast_in_dim3A_282, %broadcast_in_dim3A_274 : vector<16xi1>, vector<16xi32>
    %select_n3A_284 = arith.select %gt3A_280, %get3A_262, %get3A_258 : vector<16xi1>, vector<16xf32>
    %gt3A_285 = arith.cmpf ogt, %get3A_250, %select_n3A_279 : vector<16xf32>
    %jit3A_286 = arith.constant 2 : i32
    %broadcast_in_dim3A_287 = vector.broadcast %jit3A_286 : i32 to vector<16xi32>
    %select_n3A_288 = arith.select %gt3A_285, %broadcast_in_dim3A_287, %select_n3A_278 : vector<16xi1>, vector<16xi32>
    %select_n3A_289 = arith.select %gt3A_285, %get3A_250, %select_n3A_279 : vector<16xi1>, vector<16xf32>
    %gt3A_290 = arith.cmpf ogt, %get3A_266, %select_n3A_284 : vector<16xf32>
    %jit3A_291 = arith.constant 6 : i32
    %broadcast_in_dim3A_292 = vector.broadcast %jit3A_291 : i32 to vector<16xi32>
    %select_n3A_293 = arith.select %gt3A_290, %broadcast_in_dim3A_292, %select_n3A_283 : vector<16xi1>, vector<16xi32>
    %select_n3A_294 = arith.select %gt3A_290, %get3A_266, %select_n3A_284 : vector<16xi1>, vector<16xf32>
    %gt3A_295 = arith.cmpf ogt, %get3A_254, %select_n3A_289 : vector<16xf32>
    %jit3A_296 = arith.constant 3 : i32
    %broadcast_in_dim3A_297 = vector.broadcast %jit3A_296 : i32 to vector<16xi32>
    %select_n3A_298 = arith.select %gt3A_295, %broadcast_in_dim3A_297, %select_n3A_288 : vector<16xi1>, vector<16xi32>
    %select_n3A_299 = arith.select %gt3A_295, %get3A_254, %select_n3A_289 : vector<16xi1>, vector<16xf32>
    %gt3A_300 = arith.cmpf ogt, %get3A_270, %select_n3A_294 : vector<16xf32>
    %jit3A_301 = arith.constant 7 : i32
    %broadcast_in_dim3A_302 = vector.broadcast %jit3A_301 : i32 to vector<16xi32>
    %select_n3A_303 = arith.select %gt3A_300, %broadcast_in_dim3A_302, %select_n3A_293 : vector<16xi1>, vector<16xi32>
    %select_n3A_304 = arith.select %gt3A_300, %get3A_270, %select_n3A_294 : vector<16xi1>, vector<16xf32>
    %max3A_305 = arith.maximumf %select_n3A_299, %select_n3A_304 : vector<16xf32>
    %sub3A_306 = arith.subf %select_n3A_299, %max3A_305 : vector<16xf32>
    %exp3A_307 = math.exp %sub3A_306 : vector<16xf32>
    %sub3A_308 = arith.subf %select_n3A_304, %max3A_305 : vector<16xf32>
    %exp3A_309 = math.exp %sub3A_308 : vector<16xf32>
    %add3A_310 = arith.addf %exp3A_307, %exp3A_309 : vector<16xf32>
    %swap3A_311 = arith.constant 48 : index
    %swap3A_312 = tpu.vector_load %arg8[%swap3A_311] {strides = array<i32>} : memref<64xi32, #tpu.memory_space<vmem>>, vector<16xi32>,
    tpu.vector_store %arg8[%swap3A_311], %select_n3A_298 {strides = array<i32>} : memref<64xi32, #tpu.memory_space<vmem>>, vector<16xi32>,
    %swap3A_313 = arith.constant 48 : index
    %swap3A_314 = tpu.vector_load %arg9[%swap3A_313] {strides = array<i32>} : memref<64xi32, #tpu.memory_space<vmem>>, vector<16xi32>,
    tpu.vector_store %arg9[%swap3A_313], %select_n3A_303 {strides = array<i32>} : memref<64xi32, #tpu.memory_space<vmem>>, vector<16xi32>,
    %div3A_315 = arith.divf %exp3A_307, %add3A_310 : vector<16xf32>
    %swap3A_316 = arith.constant 48 : index
    %swap3A_317 = tpu.vector_load %arg10[%swap3A_316] {strides = array<i32>} : memref<64xf32, #tpu.memory_space<vmem>>, vector<16xf32>,
    tpu.vector_store %arg10[%swap3A_316], %div3A_315 {strides = array<i32>} : memref<64xf32, #tpu.memory_space<vmem>>, vector<16xf32>,
    %div3A_318 = arith.divf %exp3A_309, %add3A_310 : vector<16xf32>
    %swap3A_319 = arith.constant 48 : index
    %swap3A_320 = tpu.vector_load %arg11[%swap3A_319] {strides = array<i32>} : memref<64xf32, #tpu.memory_space<vmem>>, vector<16xf32>,
    tpu.vector_store %arg11[%swap3A_319], %div3A_318 {strides = array<i32>} : memref<64xf32, #tpu.memory_space<vmem>>, vector<16xf32>,
    "tpu.region"() ({
      %run_scoped3A = tpu.sem_alloc : memref<!tpu.dma_semaphore, #tpu.memory_space<semaphore_mem>>
      %dma_start3A = tpu.memref_slice %arg3[%mul3A_2] : memref<2048xi32, #tpu.memory_space<hbm>> -> memref<64xi32, #tpu.memory_space<hbm>>
      %dma_start3A_321 = tpu.memref_slice %arg3[%mul3A_2] : memref<2048xi32, #tpu.memory_space<hbm>> -> memref<64xi32, #tpu.memory_space<hbm>>
      tpu.enqueue_dma source(%arg8 : memref<64xi32, #tpu.memory_space<vmem>>) target(%dma_start3A_321 : memref<64xi32, #tpu.memory_space<hbm>>) target_semaphore(%run_scoped3A : memref<!tpu.dma_semaphore, #tpu.memory_space<semaphore_mem>>)
      %dma_wait3A = tpu.memref_slice %arg3[%mul3A_2] : memref<2048xi32, #tpu.memory_space<hbm>> -> memref<64xi32, #tpu.memory_space<hbm>>
      %dma_wait3A_322 = tpu.memref_slice %arg3[%mul3A_2] : memref<2048xi32, #tpu.memory_space<hbm>> -> memref<64xi32, #tpu.memory_space<hbm>>
      tpu.wait_dma2 semaphore(%run_scoped3A : memref<!tpu.dma_semaphore, #tpu.memory_space<semaphore_mem>>) src(%arg8 : memref<64xi32, #tpu.memory_space<vmem>>) dst(%dma_wait3A_322 : memref<64xi32, #tpu.memory_space<hbm>>)
      tpu.yield
    }) : () -> ()
    "tpu.region"() ({
      %run_scoped3A = tpu.sem_alloc : memref<!tpu.dma_semaphore, #tpu.memory_space<semaphore_mem>>
      %dma_start3A = tpu.memref_slice %arg4[%mul3A_2] : memref<2048xi32, #tpu.memory_space<hbm>> -> memref<64xi32, #tpu.memory_space<hbm>>
      %dma_start3A_321 = tpu.memref_slice %arg4[%mul3A_2] : memref<2048xi32, #tpu.memory_space<hbm>> -> memref<64xi32, #tpu.memory_space<hbm>>
      tpu.enqueue_dma source(%arg9 : memref<64xi32, #tpu.memory_space<vmem>>) target(%dma_start3A_321 : memref<64xi32, #tpu.memory_space<hbm>>) target_semaphore(%run_scoped3A : memref<!tpu.dma_semaphore, #tpu.memory_space<semaphore_mem>>)
      %dma_wait3A = tpu.memref_slice %arg4[%mul3A_2] : memref<2048xi32, #tpu.memory_space<hbm>> -> memref<64xi32, #tpu.memory_space<hbm>>
      %dma_wait3A_322 = tpu.memref_slice %arg4[%mul3A_2] : memref<2048xi32, #tpu.memory_space<hbm>> -> memref<64xi32, #tpu.memory_space<hbm>>
      tpu.wait_dma2 semaphore(%run_scoped3A : memref<!tpu.dma_semaphore, #tpu.memory_space<semaphore_mem>>) src(%arg9 : memref<64xi32, #tpu.memory_space<vmem>>) dst(%dma_wait3A_322 : memref<64xi32, #tpu.memory_space<hbm>>)
      tpu.yield
    }) : () -> ()
    "tpu.region"() ({
      %run_scoped3A = tpu.sem_alloc : memref<!tpu.dma_semaphore, #tpu.memory_space<semaphore_mem>>
      %dma_start3A = tpu.memref_slice %arg5[%mul3A_2] : memref<2048xf32, #tpu.memory_space<hbm>> -> memref<64xf32, #tpu.memory_space<hbm>>
      %dma_start3A_321 = tpu.memref_slice %arg5[%mul3A_2] : memref<2048xf32, #tpu.memory_space<hbm>> -> memref<64xf32, #tpu.memory_space<hbm>>
      tpu.enqueue_dma source(%arg10 : memref<64xf32, #tpu.memory_space<vmem>>) target(%dma_start3A_321 : memref<64xf32, #tpu.memory_space<hbm>>) target_semaphore(%run_scoped3A : memref<!tpu.dma_semaphore, #tpu.memory_space<semaphore_mem>>)
      %dma_wait3A = tpu.memref_slice %arg5[%mul3A_2] : memref<2048xf32, #tpu.memory_space<hbm>> -> memref<64xf32, #tpu.memory_space<hbm>>
      %dma_wait3A_322 = tpu.memref_slice %arg5[%mul3A_2] : memref<2048xf32, #tpu.memory_space<hbm>> -> memref<64xf32, #tpu.memory_space<hbm>>
      tpu.wait_dma2 semaphore(%run_scoped3A : memref<!tpu.dma_semaphore, #tpu.memory_space<semaphore_mem>>) src(%arg10 : memref<64xf32, #tpu.memory_space<vmem>>) dst(%dma_wait3A_322 : memref<64xf32, #tpu.memory_space<hbm>>)
      tpu.yield
    }) : () -> ()
    "tpu.region"() ({
      %run_scoped3A = tpu.sem_alloc : memref<!tpu.dma_semaphore, #tpu.memory_space<semaphore_mem>>
      %dma_start3A = tpu.memref_slice %arg6[%mul3A_2] : memref<2048xf32, #tpu.memory_space<hbm>> -> memref<64xf32, #tpu.memory_space<hbm>>
      %dma_start3A_321 = tpu.memref_slice %arg6[%mul3A_2] : memref<2048xf32, #tpu.memory_space<hbm>> -> memref<64xf32, #tpu.memory_space<hbm>>
      tpu.enqueue_dma source(%arg11 : memref<64xf32, #tpu.memory_space<vmem>>) target(%dma_start3A_321 : memref<64xf32, #tpu.memory_space<hbm>>) target_semaphore(%run_scoped3A : memref<!tpu.dma_semaphore, #tpu.memory_space<semaphore_mem>>)
      %dma_wait3A = tpu.memref_slice %arg6[%mul3A_2] : memref<2048xf32, #tpu.memory_space<hbm>> -> memref<64xf32, #tpu.memory_space<hbm>>
      %dma_wait3A_322 = tpu.memref_slice %arg6[%mul3A_2] : memref<2048xf32, #tpu.memory_space<hbm>> -> memref<64xf32, #tpu.memory_space<hbm>>
      tpu.wait_dma2 semaphore(%run_scoped3A : memref<!tpu.dma_semaphore, #tpu.memory_space<semaphore_mem>>) src(%arg11 : memref<64xf32, #tpu.memory_space<vmem>>) dst(%dma_wait3A_322 : memref<64xf32, #tpu.memory_space<hbm>>)
      tpu.yield
    }) : () -> ()
    return
  }
}

module attributes {stable_mosaic.version = 14 : i64} {
  func.func @_logits_kernel(%arg0: memref<2048x1024xf32, #tpu.memory_space<vmem>>, %arg1: memref<1024x8xf32, #tpu.memory_space<vmem>>, %arg2: memref<32x8x64xf32, #tpu.memory_space<vmem>>, %arg3: memref<2048x1024xbf16, #tpu.memory_space<vmem>>) attributes {dimension_semantics = [], scalar_prefetch = 0 : i64, scratch_operands = 0 : i64, tpu.core_type = #tpu.core_type<tc>} {
    %get3A = arith.constant 0 : index
    %get3A_0 = arith.constant 0 : index
    %get3A_1 = vector.load %arg0[%get3A, %get3A_0] : memref<2048x1024xf32, #tpu.memory_space<vmem>>, vector<2048x1024xf32>
    %convert_element_type3A = arith.truncf %get3A_1 : vector<2048x1024xf32> to vector<2048x1024xbf16>
    %swap3A = arith.constant 0 : index
    %swap3A_2 = arith.constant 0 : index
    %swap3A_3 = vector.load %arg3[%swap3A, %swap3A_2] : memref<2048x1024xbf16, #tpu.memory_space<vmem>>, vector<2048x1024xbf16>
    tpu.vector_store %arg3[%swap3A, %swap3A_2], %convert_element_type3A {strides = array<i32>} : memref<2048x1024xbf16, #tpu.memory_space<vmem>>, vector<2048x1024xbf16>,
    %get3A_4 = arith.constant 0 : index
    %get3A_5 = arith.constant 0 : index
    %get3A_6 = vector.load %arg1[%get3A_4, %get3A_5] : memref<1024x8xf32, #tpu.memory_space<vmem>>, vector<1024x8xf32>
    %get3A_7 = arith.constant 0 : index
    %get3A_8 = arith.constant 0 : index
    %get3A_9 = vector.load %arg0[%get3A_7, %get3A_8] : memref<2048x1024xf32, #tpu.memory_space<vmem>>, vector<2048x1024xf32>
    %dot_general3A = arith.constant dense<0.000000e+00> : vector<8x2048xf32>
    %dot_general3A_10 = tpu.matmul %get3A_6, %get3A_9, %dot_general3A {dimension_numbers = #tpu.dot_dimension_numbers<[0], [1], [1], [0], [0, 1, 1, 0], [], []>, transpose_lhs_hint = false} : vector<1024x8xf32>, vector<2048x1024xf32>, vector<8x2048xf32> -> vector<8x2048xf32>
    %slice3A = vector.extract_strided_slice %dot_general3A_10 {offsets = [0, 0], sizes = [8, 64], strides = [1, 1]} : vector<8x2048xf32> to vector<8x64xf32>
    %swap3A_11 = arith.constant 0 : index
    %swap3A_12 = arith.constant 0 : index
    %swap3A_13 = arith.constant 0 : index
    %swap3A_14 = vector.load %arg2[%swap3A_11, %swap3A_12, %swap3A_13] : memref<32x8x64xf32, #tpu.memory_space<vmem>>, vector<1x8x64xf32>
    %swap3A_15 = vector.shape_cast %swap3A_14 : vector<1x8x64xf32> to vector<8x64xf32>
    %swap3A_16 = vector.shape_cast %slice3A : vector<8x64xf32> to vector<1x8x64xf32>
    tpu.vector_store %arg2[%swap3A_11, %swap3A_12, %swap3A_13], %swap3A_16 {strides = array<i32>} : memref<32x8x64xf32, #tpu.memory_space<vmem>>, vector<1x8x64xf32>,
    %slice3A_17 = vector.extract_strided_slice %dot_general3A_10 {offsets = [0, 64], sizes = [8, 64], strides = [1, 1]} : vector<8x2048xf32> to vector<8x64xf32>
    %swap3A_18 = arith.constant 1 : index
    %swap3A_19 = arith.constant 0 : index
    %swap3A_20 = arith.constant 0 : index
    %swap3A_21 = vector.load %arg2[%swap3A_18, %swap3A_19, %swap3A_20] : memref<32x8x64xf32, #tpu.memory_space<vmem>>, vector<1x8x64xf32>
    %swap3A_22 = vector.shape_cast %swap3A_21 : vector<1x8x64xf32> to vector<8x64xf32>
    %swap3A_23 = vector.shape_cast %slice3A_17 : vector<8x64xf32> to vector<1x8x64xf32>
    tpu.vector_store %arg2[%swap3A_18, %swap3A_19, %swap3A_20], %swap3A_23 {strides = array<i32>} : memref<32x8x64xf32, #tpu.memory_space<vmem>>, vector<1x8x64xf32>,
    %slice3A_24 = vector.extract_strided_slice %dot_general3A_10 {offsets = [0, 128], sizes = [8, 64], strides = [1, 1]} : vector<8x2048xf32> to vector<8x64xf32>
    %swap3A_25 = arith.constant 2 : index
    %swap3A_26 = arith.constant 0 : index
    %swap3A_27 = arith.constant 0 : index
    %swap3A_28 = vector.load %arg2[%swap3A_25, %swap3A_26, %swap3A_27] : memref<32x8x64xf32, #tpu.memory_space<vmem>>, vector<1x8x64xf32>
    %swap3A_29 = vector.shape_cast %swap3A_28 : vector<1x8x64xf32> to vector<8x64xf32>
    %swap3A_30 = vector.shape_cast %slice3A_24 : vector<8x64xf32> to vector<1x8x64xf32>
    tpu.vector_store %arg2[%swap3A_25, %swap3A_26, %swap3A_27], %swap3A_30 {strides = array<i32>} : memref<32x8x64xf32, #tpu.memory_space<vmem>>, vector<1x8x64xf32>,
    %slice3A_31 = vector.extract_strided_slice %dot_general3A_10 {offsets = [0, 192], sizes = [8, 64], strides = [1, 1]} : vector<8x2048xf32> to vector<8x64xf32>
    %swap3A_32 = arith.constant 3 : index
    %swap3A_33 = arith.constant 0 : index
    %swap3A_34 = arith.constant 0 : index
    %swap3A_35 = vector.load %arg2[%swap3A_32, %swap3A_33, %swap3A_34] : memref<32x8x64xf32, #tpu.memory_space<vmem>>, vector<1x8x64xf32>
    %swap3A_36 = vector.shape_cast %swap3A_35 : vector<1x8x64xf32> to vector<8x64xf32>
    %swap3A_37 = vector.shape_cast %slice3A_31 : vector<8x64xf32> to vector<1x8x64xf32>
    tpu.vector_store %arg2[%swap3A_32, %swap3A_33, %swap3A_34], %swap3A_37 {strides = array<i32>} : memref<32x8x64xf32, #tpu.memory_space<vmem>>, vector<1x8x64xf32>,
    %slice3A_38 = vector.extract_strided_slice %dot_general3A_10 {offsets = [0, 256], sizes = [8, 64], strides = [1, 1]} : vector<8x2048xf32> to vector<8x64xf32>
    %swap3A_39 = arith.constant 4 : index
    %swap3A_40 = arith.constant 0 : index
    %swap3A_41 = arith.constant 0 : index
    %swap3A_42 = vector.load %arg2[%swap3A_39, %swap3A_40, %swap3A_41] : memref<32x8x64xf32, #tpu.memory_space<vmem>>, vector<1x8x64xf32>
    %swap3A_43 = vector.shape_cast %swap3A_42 : vector<1x8x64xf32> to vector<8x64xf32>
    %swap3A_44 = vector.shape_cast %slice3A_38 : vector<8x64xf32> to vector<1x8x64xf32>
    tpu.vector_store %arg2[%swap3A_39, %swap3A_40, %swap3A_41], %swap3A_44 {strides = array<i32>} : memref<32x8x64xf32, #tpu.memory_space<vmem>>, vector<1x8x64xf32>,
    %slice3A_45 = vector.extract_strided_slice %dot_general3A_10 {offsets = [0, 320], sizes = [8, 64], strides = [1, 1]} : vector<8x2048xf32> to vector<8x64xf32>
    %swap3A_46 = arith.constant 5 : index
    %swap3A_47 = arith.constant 0 : index
    %swap3A_48 = arith.constant 0 : index
    %swap3A_49 = vector.load %arg2[%swap3A_46, %swap3A_47, %swap3A_48] : memref<32x8x64xf32, #tpu.memory_space<vmem>>, vector<1x8x64xf32>
    %swap3A_50 = vector.shape_cast %swap3A_49 : vector<1x8x64xf32> to vector<8x64xf32>
    %swap3A_51 = vector.shape_cast %slice3A_45 : vector<8x64xf32> to vector<1x8x64xf32>
    tpu.vector_store %arg2[%swap3A_46, %swap3A_47, %swap3A_48], %swap3A_51 {strides = array<i32>} : memref<32x8x64xf32, #tpu.memory_space<vmem>>, vector<1x8x64xf32>,
    %slice3A_52 = vector.extract_strided_slice %dot_general3A_10 {offsets = [0, 384], sizes = [8, 64], strides = [1, 1]} : vector<8x2048xf32> to vector<8x64xf32>
    %swap3A_53 = arith.constant 6 : index
    %swap3A_54 = arith.constant 0 : index
    %swap3A_55 = arith.constant 0 : index
    %swap3A_56 = vector.load %arg2[%swap3A_53, %swap3A_54, %swap3A_55] : memref<32x8x64xf32, #tpu.memory_space<vmem>>, vector<1x8x64xf32>
    %swap3A_57 = vector.shape_cast %swap3A_56 : vector<1x8x64xf32> to vector<8x64xf32>
    %swap3A_58 = vector.shape_cast %slice3A_52 : vector<8x64xf32> to vector<1x8x64xf32>
    tpu.vector_store %arg2[%swap3A_53, %swap3A_54, %swap3A_55], %swap3A_58 {strides = array<i32>} : memref<32x8x64xf32, #tpu.memory_space<vmem>>, vector<1x8x64xf32>,
    %slice3A_59 = vector.extract_strided_slice %dot_general3A_10 {offsets = [0, 448], sizes = [8, 64], strides = [1, 1]} : vector<8x2048xf32> to vector<8x64xf32>
    %swap3A_60 = arith.constant 7 : index
    %swap3A_61 = arith.constant 0 : index
    %swap3A_62 = arith.constant 0 : index
    %swap3A_63 = vector.load %arg2[%swap3A_60, %swap3A_61, %swap3A_62] : memref<32x8x64xf32, #tpu.memory_space<vmem>>, vector<1x8x64xf32>
    %swap3A_64 = vector.shape_cast %swap3A_63 : vector<1x8x64xf32> to vector<8x64xf32>
    %swap3A_65 = vector.shape_cast %slice3A_59 : vector<8x64xf32> to vector<1x8x64xf32>
    tpu.vector_store %arg2[%swap3A_60, %swap3A_61, %swap3A_62], %swap3A_65 {strides = array<i32>} : memref<32x8x64xf32, #tpu.memory_space<vmem>>, vector<1x8x64xf32>,
    %slice3A_66 = vector.extract_strided_slice %dot_general3A_10 {offsets = [0, 512], sizes = [8, 64], strides = [1, 1]} : vector<8x2048xf32> to vector<8x64xf32>
    %swap3A_67 = arith.constant 8 : index
    %swap3A_68 = arith.constant 0 : index
    %swap3A_69 = arith.constant 0 : index
    %swap3A_70 = vector.load %arg2[%swap3A_67, %swap3A_68, %swap3A_69] : memref<32x8x64xf32, #tpu.memory_space<vmem>>, vector<1x8x64xf32>
    %swap3A_71 = vector.shape_cast %swap3A_70 : vector<1x8x64xf32> to vector<8x64xf32>
    %swap3A_72 = vector.shape_cast %slice3A_66 : vector<8x64xf32> to vector<1x8x64xf32>
    tpu.vector_store %arg2[%swap3A_67, %swap3A_68, %swap3A_69], %swap3A_72 {strides = array<i32>} : memref<32x8x64xf32, #tpu.memory_space<vmem>>, vector<1x8x64xf32>,
    %slice3A_73 = vector.extract_strided_slice %dot_general3A_10 {offsets = [0, 576], sizes = [8, 64], strides = [1, 1]} : vector<8x2048xf32> to vector<8x64xf32>
    %swap3A_74 = arith.constant 9 : index
    %swap3A_75 = arith.constant 0 : index
    %swap3A_76 = arith.constant 0 : index
    %swap3A_77 = vector.load %arg2[%swap3A_74, %swap3A_75, %swap3A_76] : memref<32x8x64xf32, #tpu.memory_space<vmem>>, vector<1x8x64xf32>
    %swap3A_78 = vector.shape_cast %swap3A_77 : vector<1x8x64xf32> to vector<8x64xf32>
    %swap3A_79 = vector.shape_cast %slice3A_73 : vector<8x64xf32> to vector<1x8x64xf32>
    tpu.vector_store %arg2[%swap3A_74, %swap3A_75, %swap3A_76], %swap3A_79 {strides = array<i32>} : memref<32x8x64xf32, #tpu.memory_space<vmem>>, vector<1x8x64xf32>,
    %slice3A_80 = vector.extract_strided_slice %dot_general3A_10 {offsets = [0, 640], sizes = [8, 64], strides = [1, 1]} : vector<8x2048xf32> to vector<8x64xf32>
    %swap3A_81 = arith.constant 10 : index
    %swap3A_82 = arith.constant 0 : index
    %swap3A_83 = arith.constant 0 : index
    %swap3A_84 = vector.load %arg2[%swap3A_81, %swap3A_82, %swap3A_83] : memref<32x8x64xf32, #tpu.memory_space<vmem>>, vector<1x8x64xf32>
    %swap3A_85 = vector.shape_cast %swap3A_84 : vector<1x8x64xf32> to vector<8x64xf32>
    %swap3A_86 = vector.shape_cast %slice3A_80 : vector<8x64xf32> to vector<1x8x64xf32>
    tpu.vector_store %arg2[%swap3A_81, %swap3A_82, %swap3A_83], %swap3A_86 {strides = array<i32>} : memref<32x8x64xf32, #tpu.memory_space<vmem>>, vector<1x8x64xf32>,
    %slice3A_87 = vector.extract_strided_slice %dot_general3A_10 {offsets = [0, 704], sizes = [8, 64], strides = [1, 1]} : vector<8x2048xf32> to vector<8x64xf32>
    %swap3A_88 = arith.constant 11 : index
    %swap3A_89 = arith.constant 0 : index
    %swap3A_90 = arith.constant 0 : index
    %swap3A_91 = vector.load %arg2[%swap3A_88, %swap3A_89, %swap3A_90] : memref<32x8x64xf32, #tpu.memory_space<vmem>>, vector<1x8x64xf32>
    %swap3A_92 = vector.shape_cast %swap3A_91 : vector<1x8x64xf32> to vector<8x64xf32>
    %swap3A_93 = vector.shape_cast %slice3A_87 : vector<8x64xf32> to vector<1x8x64xf32>
    tpu.vector_store %arg2[%swap3A_88, %swap3A_89, %swap3A_90], %swap3A_93 {strides = array<i32>} : memref<32x8x64xf32, #tpu.memory_space<vmem>>, vector<1x8x64xf32>,
    %slice3A_94 = vector.extract_strided_slice %dot_general3A_10 {offsets = [0, 768], sizes = [8, 64], strides = [1, 1]} : vector<8x2048xf32> to vector<8x64xf32>
    %swap3A_95 = arith.constant 12 : index
    %swap3A_96 = arith.constant 0 : index
    %swap3A_97 = arith.constant 0 : index
    %swap3A_98 = vector.load %arg2[%swap3A_95, %swap3A_96, %swap3A_97] : memref<32x8x64xf32, #tpu.memory_space<vmem>>, vector<1x8x64xf32>
    %swap3A_99 = vector.shape_cast %swap3A_98 : vector<1x8x64xf32> to vector<8x64xf32>
    %swap3A_100 = vector.shape_cast %slice3A_94 : vector<8x64xf32> to vector<1x8x64xf32>
    tpu.vector_store %arg2[%swap3A_95, %swap3A_96, %swap3A_97], %swap3A_100 {strides = array<i32>} : memref<32x8x64xf32, #tpu.memory_space<vmem>>, vector<1x8x64xf32>,
    %slice3A_101 = vector.extract_strided_slice %dot_general3A_10 {offsets = [0, 832], sizes = [8, 64], strides = [1, 1]} : vector<8x2048xf32> to vector<8x64xf32>
    %swap3A_102 = arith.constant 13 : index
    %swap3A_103 = arith.constant 0 : index
    %swap3A_104 = arith.constant 0 : index
    %swap3A_105 = vector.load %arg2[%swap3A_102, %swap3A_103, %swap3A_104] : memref<32x8x64xf32, #tpu.memory_space<vmem>>, vector<1x8x64xf32>
    %swap3A_106 = vector.shape_cast %swap3A_105 : vector<1x8x64xf32> to vector<8x64xf32>
    %swap3A_107 = vector.shape_cast %slice3A_101 : vector<8x64xf32> to vector<1x8x64xf32>
    tpu.vector_store %arg2[%swap3A_102, %swap3A_103, %swap3A_104], %swap3A_107 {strides = array<i32>} : memref<32x8x64xf32, #tpu.memory_space<vmem>>, vector<1x8x64xf32>,
    %slice3A_108 = vector.extract_strided_slice %dot_general3A_10 {offsets = [0, 896], sizes = [8, 64], strides = [1, 1]} : vector<8x2048xf32> to vector<8x64xf32>
    %swap3A_109 = arith.constant 14 : index
    %swap3A_110 = arith.constant 0 : index
    %swap3A_111 = arith.constant 0 : index
    %swap3A_112 = vector.load %arg2[%swap3A_109, %swap3A_110, %swap3A_111] : memref<32x8x64xf32, #tpu.memory_space<vmem>>, vector<1x8x64xf32>
    %swap3A_113 = vector.shape_cast %swap3A_112 : vector<1x8x64xf32> to vector<8x64xf32>
    %swap3A_114 = vector.shape_cast %slice3A_108 : vector<8x64xf32> to vector<1x8x64xf32>
    tpu.vector_store %arg2[%swap3A_109, %swap3A_110, %swap3A_111], %swap3A_114 {strides = array<i32>} : memref<32x8x64xf32, #tpu.memory_space<vmem>>, vector<1x8x64xf32>,
    %slice3A_115 = vector.extract_strided_slice %dot_general3A_10 {offsets = [0, 960], sizes = [8, 64], strides = [1, 1]} : vector<8x2048xf32> to vector<8x64xf32>
    %swap3A_116 = arith.constant 15 : index
    %swap3A_117 = arith.constant 0 : index
    %swap3A_118 = arith.constant 0 : index
    %swap3A_119 = vector.load %arg2[%swap3A_116, %swap3A_117, %swap3A_118] : memref<32x8x64xf32, #tpu.memory_space<vmem>>, vector<1x8x64xf32>
    %swap3A_120 = vector.shape_cast %swap3A_119 : vector<1x8x64xf32> to vector<8x64xf32>
    %swap3A_121 = vector.shape_cast %slice3A_115 : vector<8x64xf32> to vector<1x8x64xf32>
    tpu.vector_store %arg2[%swap3A_116, %swap3A_117, %swap3A_118], %swap3A_121 {strides = array<i32>} : memref<32x8x64xf32, #tpu.memory_space<vmem>>, vector<1x8x64xf32>,
    %slice3A_122 = vector.extract_strided_slice %dot_general3A_10 {offsets = [0, 1024], sizes = [8, 64], strides = [1, 1]} : vector<8x2048xf32> to vector<8x64xf32>
    %swap3A_123 = arith.constant 16 : index
    %swap3A_124 = arith.constant 0 : index
    %swap3A_125 = arith.constant 0 : index
    %swap3A_126 = vector.load %arg2[%swap3A_123, %swap3A_124, %swap3A_125] : memref<32x8x64xf32, #tpu.memory_space<vmem>>, vector<1x8x64xf32>
    %swap3A_127 = vector.shape_cast %swap3A_126 : vector<1x8x64xf32> to vector<8x64xf32>
    %swap3A_128 = vector.shape_cast %slice3A_122 : vector<8x64xf32> to vector<1x8x64xf32>
    tpu.vector_store %arg2[%swap3A_123, %swap3A_124, %swap3A_125], %swap3A_128 {strides = array<i32>} : memref<32x8x64xf32, #tpu.memory_space<vmem>>, vector<1x8x64xf32>,
    %slice3A_129 = vector.extract_strided_slice %dot_general3A_10 {offsets = [0, 1088], sizes = [8, 64], strides = [1, 1]} : vector<8x2048xf32> to vector<8x64xf32>
    %swap3A_130 = arith.constant 17 : index
    %swap3A_131 = arith.constant 0 : index
    %swap3A_132 = arith.constant 0 : index
    %swap3A_133 = vector.load %arg2[%swap3A_130, %swap3A_131, %swap3A_132] : memref<32x8x64xf32, #tpu.memory_space<vmem>>, vector<1x8x64xf32>
    %swap3A_134 = vector.shape_cast %swap3A_133 : vector<1x8x64xf32> to vector<8x64xf32>
    %swap3A_135 = vector.shape_cast %slice3A_129 : vector<8x64xf32> to vector<1x8x64xf32>
    tpu.vector_store %arg2[%swap3A_130, %swap3A_131, %swap3A_132], %swap3A_135 {strides = array<i32>} : memref<32x8x64xf32, #tpu.memory_space<vmem>>, vector<1x8x64xf32>,
    %slice3A_136 = vector.extract_strided_slice %dot_general3A_10 {offsets = [0, 1152], sizes = [8, 64], strides = [1, 1]} : vector<8x2048xf32> to vector<8x64xf32>
    %swap3A_137 = arith.constant 18 : index
    %swap3A_138 = arith.constant 0 : index
    %swap3A_139 = arith.constant 0 : index
    %swap3A_140 = vector.load %arg2[%swap3A_137, %swap3A_138, %swap3A_139] : memref<32x8x64xf32, #tpu.memory_space<vmem>>, vector<1x8x64xf32>
    %swap3A_141 = vector.shape_cast %swap3A_140 : vector<1x8x64xf32> to vector<8x64xf32>
    %swap3A_142 = vector.shape_cast %slice3A_136 : vector<8x64xf32> to vector<1x8x64xf32>
    tpu.vector_store %arg2[%swap3A_137, %swap3A_138, %swap3A_139], %swap3A_142 {strides = array<i32>} : memref<32x8x64xf32, #tpu.memory_space<vmem>>, vector<1x8x64xf32>,
    %slice3A_143 = vector.extract_strided_slice %dot_general3A_10 {offsets = [0, 1216], sizes = [8, 64], strides = [1, 1]} : vector<8x2048xf32> to vector<8x64xf32>
    %swap3A_144 = arith.constant 19 : index
    %swap3A_145 = arith.constant 0 : index
    %swap3A_146 = arith.constant 0 : index
    %swap3A_147 = vector.load %arg2[%swap3A_144, %swap3A_145, %swap3A_146] : memref<32x8x64xf32, #tpu.memory_space<vmem>>, vector<1x8x64xf32>
    %swap3A_148 = vector.shape_cast %swap3A_147 : vector<1x8x64xf32> to vector<8x64xf32>
    %swap3A_149 = vector.shape_cast %slice3A_143 : vector<8x64xf32> to vector<1x8x64xf32>
    tpu.vector_store %arg2[%swap3A_144, %swap3A_145, %swap3A_146], %swap3A_149 {strides = array<i32>} : memref<32x8x64xf32, #tpu.memory_space<vmem>>, vector<1x8x64xf32>,
    %slice3A_150 = vector.extract_strided_slice %dot_general3A_10 {offsets = [0, 1280], sizes = [8, 64], strides = [1, 1]} : vector<8x2048xf32> to vector<8x64xf32>
    %swap3A_151 = arith.constant 20 : index
    %swap3A_152 = arith.constant 0 : index
    %swap3A_153 = arith.constant 0 : index
    %swap3A_154 = vector.load %arg2[%swap3A_151, %swap3A_152, %swap3A_153] : memref<32x8x64xf32, #tpu.memory_space<vmem>>, vector<1x8x64xf32>
    %swap3A_155 = vector.shape_cast %swap3A_154 : vector<1x8x64xf32> to vector<8x64xf32>
    %swap3A_156 = vector.shape_cast %slice3A_150 : vector<8x64xf32> to vector<1x8x64xf32>
    tpu.vector_store %arg2[%swap3A_151, %swap3A_152, %swap3A_153], %swap3A_156 {strides = array<i32>} : memref<32x8x64xf32, #tpu.memory_space<vmem>>, vector<1x8x64xf32>,
    %slice3A_157 = vector.extract_strided_slice %dot_general3A_10 {offsets = [0, 1344], sizes = [8, 64], strides = [1, 1]} : vector<8x2048xf32> to vector<8x64xf32>
    %swap3A_158 = arith.constant 21 : index
    %swap3A_159 = arith.constant 0 : index
    %swap3A_160 = arith.constant 0 : index
    %swap3A_161 = vector.load %arg2[%swap3A_158, %swap3A_159, %swap3A_160] : memref<32x8x64xf32, #tpu.memory_space<vmem>>, vector<1x8x64xf32>
    %swap3A_162 = vector.shape_cast %swap3A_161 : vector<1x8x64xf32> to vector<8x64xf32>
    %swap3A_163 = vector.shape_cast %slice3A_157 : vector<8x64xf32> to vector<1x8x64xf32>
    tpu.vector_store %arg2[%swap3A_158, %swap3A_159, %swap3A_160], %swap3A_163 {strides = array<i32>} : memref<32x8x64xf32, #tpu.memory_space<vmem>>, vector<1x8x64xf32>,
    %slice3A_164 = vector.extract_strided_slice %dot_general3A_10 {offsets = [0, 1408], sizes = [8, 64], strides = [1, 1]} : vector<8x2048xf32> to vector<8x64xf32>
    %swap3A_165 = arith.constant 22 : index
    %swap3A_166 = arith.constant 0 : index
    %swap3A_167 = arith.constant 0 : index
    %swap3A_168 = vector.load %arg2[%swap3A_165, %swap3A_166, %swap3A_167] : memref<32x8x64xf32, #tpu.memory_space<vmem>>, vector<1x8x64xf32>
    %swap3A_169 = vector.shape_cast %swap3A_168 : vector<1x8x64xf32> to vector<8x64xf32>
    %swap3A_170 = vector.shape_cast %slice3A_164 : vector<8x64xf32> to vector<1x8x64xf32>
    tpu.vector_store %arg2[%swap3A_165, %swap3A_166, %swap3A_167], %swap3A_170 {strides = array<i32>} : memref<32x8x64xf32, #tpu.memory_space<vmem>>, vector<1x8x64xf32>,
    %slice3A_171 = vector.extract_strided_slice %dot_general3A_10 {offsets = [0, 1472], sizes = [8, 64], strides = [1, 1]} : vector<8x2048xf32> to vector<8x64xf32>
    %swap3A_172 = arith.constant 23 : index
    %swap3A_173 = arith.constant 0 : index
    %swap3A_174 = arith.constant 0 : index
    %swap3A_175 = vector.load %arg2[%swap3A_172, %swap3A_173, %swap3A_174] : memref<32x8x64xf32, #tpu.memory_space<vmem>>, vector<1x8x64xf32>
    %swap3A_176 = vector.shape_cast %swap3A_175 : vector<1x8x64xf32> to vector<8x64xf32>
    %swap3A_177 = vector.shape_cast %slice3A_171 : vector<8x64xf32> to vector<1x8x64xf32>
    tpu.vector_store %arg2[%swap3A_172, %swap3A_173, %swap3A_174], %swap3A_177 {strides = array<i32>} : memref<32x8x64xf32, #tpu.memory_space<vmem>>, vector<1x8x64xf32>,
    %slice3A_178 = vector.extract_strided_slice %dot_general3A_10 {offsets = [0, 1536], sizes = [8, 64], strides = [1, 1]} : vector<8x2048xf32> to vector<8x64xf32>
    %swap3A_179 = arith.constant 24 : index
    %swap3A_180 = arith.constant 0 : index
    %swap3A_181 = arith.constant 0 : index
    %swap3A_182 = vector.load %arg2[%swap3A_179, %swap3A_180, %swap3A_181] : memref<32x8x64xf32, #tpu.memory_space<vmem>>, vector<1x8x64xf32>
    %swap3A_183 = vector.shape_cast %swap3A_182 : vector<1x8x64xf32> to vector<8x64xf32>
    %swap3A_184 = vector.shape_cast %slice3A_178 : vector<8x64xf32> to vector<1x8x64xf32>
    tpu.vector_store %arg2[%swap3A_179, %swap3A_180, %swap3A_181], %swap3A_184 {strides = array<i32>} : memref<32x8x64xf32, #tpu.memory_space<vmem>>, vector<1x8x64xf32>,
    %slice3A_185 = vector.extract_strided_slice %dot_general3A_10 {offsets = [0, 1600], sizes = [8, 64], strides = [1, 1]} : vector<8x2048xf32> to vector<8x64xf32>
    %swap3A_186 = arith.constant 25 : index
    %swap3A_187 = arith.constant 0 : index
    %swap3A_188 = arith.constant 0 : index
    %swap3A_189 = vector.load %arg2[%swap3A_186, %swap3A_187, %swap3A_188] : memref<32x8x64xf32, #tpu.memory_space<vmem>>, vector<1x8x64xf32>
    %swap3A_190 = vector.shape_cast %swap3A_189 : vector<1x8x64xf32> to vector<8x64xf32>
    %swap3A_191 = vector.shape_cast %slice3A_185 : vector<8x64xf32> to vector<1x8x64xf32>
    tpu.vector_store %arg2[%swap3A_186, %swap3A_187, %swap3A_188], %swap3A_191 {strides = array<i32>} : memref<32x8x64xf32, #tpu.memory_space<vmem>>, vector<1x8x64xf32>,
    %slice3A_192 = vector.extract_strided_slice %dot_general3A_10 {offsets = [0, 1664], sizes = [8, 64], strides = [1, 1]} : vector<8x2048xf32> to vector<8x64xf32>
    %swap3A_193 = arith.constant 26 : index
    %swap3A_194 = arith.constant 0 : index
    %swap3A_195 = arith.constant 0 : index
    %swap3A_196 = vector.load %arg2[%swap3A_193, %swap3A_194, %swap3A_195] : memref<32x8x64xf32, #tpu.memory_space<vmem>>, vector<1x8x64xf32>
    %swap3A_197 = vector.shape_cast %swap3A_196 : vector<1x8x64xf32> to vector<8x64xf32>
    %swap3A_198 = vector.shape_cast %slice3A_192 : vector<8x64xf32> to vector<1x8x64xf32>
    tpu.vector_store %arg2[%swap3A_193, %swap3A_194, %swap3A_195], %swap3A_198 {strides = array<i32>} : memref<32x8x64xf32, #tpu.memory_space<vmem>>, vector<1x8x64xf32>,
    %slice3A_199 = vector.extract_strided_slice %dot_general3A_10 {offsets = [0, 1728], sizes = [8, 64], strides = [1, 1]} : vector<8x2048xf32> to vector<8x64xf32>
    %swap3A_200 = arith.constant 27 : index
    %swap3A_201 = arith.constant 0 : index
    %swap3A_202 = arith.constant 0 : index
    %swap3A_203 = vector.load %arg2[%swap3A_200, %swap3A_201, %swap3A_202] : memref<32x8x64xf32, #tpu.memory_space<vmem>>, vector<1x8x64xf32>
    %swap3A_204 = vector.shape_cast %swap3A_203 : vector<1x8x64xf32> to vector<8x64xf32>
    %swap3A_205 = vector.shape_cast %slice3A_199 : vector<8x64xf32> to vector<1x8x64xf32>
    tpu.vector_store %arg2[%swap3A_200, %swap3A_201, %swap3A_202], %swap3A_205 {strides = array<i32>} : memref<32x8x64xf32, #tpu.memory_space<vmem>>, vector<1x8x64xf32>,
    %slice3A_206 = vector.extract_strided_slice %dot_general3A_10 {offsets = [0, 1792], sizes = [8, 64], strides = [1, 1]} : vector<8x2048xf32> to vector<8x64xf32>
    %swap3A_207 = arith.constant 28 : index
    %swap3A_208 = arith.constant 0 : index
    %swap3A_209 = arith.constant 0 : index
    %swap3A_210 = vector.load %arg2[%swap3A_207, %swap3A_208, %swap3A_209] : memref<32x8x64xf32, #tpu.memory_space<vmem>>, vector<1x8x64xf32>
    %swap3A_211 = vector.shape_cast %swap3A_210 : vector<1x8x64xf32> to vector<8x64xf32>
    %swap3A_212 = vector.shape_cast %slice3A_206 : vector<8x64xf32> to vector<1x8x64xf32>
    tpu.vector_store %arg2[%swap3A_207, %swap3A_208, %swap3A_209], %swap3A_212 {strides = array<i32>} : memref<32x8x64xf32, #tpu.memory_space<vmem>>, vector<1x8x64xf32>,
    %slice3A_213 = vector.extract_strided_slice %dot_general3A_10 {offsets = [0, 1856], sizes = [8, 64], strides = [1, 1]} : vector<8x2048xf32> to vector<8x64xf32>
    %swap3A_214 = arith.constant 29 : index
    %swap3A_215 = arith.constant 0 : index
    %swap3A_216 = arith.constant 0 : index
    %swap3A_217 = vector.load %arg2[%swap3A_214, %swap3A_215, %swap3A_216] : memref<32x8x64xf32, #tpu.memory_space<vmem>>, vector<1x8x64xf32>
    %swap3A_218 = vector.shape_cast %swap3A_217 : vector<1x8x64xf32> to vector<8x64xf32>
    %swap3A_219 = vector.shape_cast %slice3A_213 : vector<8x64xf32> to vector<1x8x64xf32>
    tpu.vector_store %arg2[%swap3A_214, %swap3A_215, %swap3A_216], %swap3A_219 {strides = array<i32>} : memref<32x8x64xf32, #tpu.memory_space<vmem>>, vector<1x8x64xf32>,
    %slice3A_220 = vector.extract_strided_slice %dot_general3A_10 {offsets = [0, 1920], sizes = [8, 64], strides = [1, 1]} : vector<8x2048xf32> to vector<8x64xf32>
    %swap3A_221 = arith.constant 30 : index
    %swap3A_222 = arith.constant 0 : index
    %swap3A_223 = arith.constant 0 : index
    %swap3A_224 = vector.load %arg2[%swap3A_221, %swap3A_222, %swap3A_223] : memref<32x8x64xf32, #tpu.memory_space<vmem>>, vector<1x8x64xf32>
    %swap3A_225 = vector.shape_cast %swap3A_224 : vector<1x8x64xf32> to vector<8x64xf32>
    %swap3A_226 = vector.shape_cast %slice3A_220 : vector<8x64xf32> to vector<1x8x64xf32>
    tpu.vector_store %arg2[%swap3A_221, %swap3A_222, %swap3A_223], %swap3A_226 {strides = array<i32>} : memref<32x8x64xf32, #tpu.memory_space<vmem>>, vector<1x8x64xf32>,
    %slice3A_227 = vector.extract_strided_slice %dot_general3A_10 {offsets = [0, 1984], sizes = [8, 64], strides = [1, 1]} : vector<8x2048xf32> to vector<8x64xf32>
    %swap3A_228 = arith.constant 31 : index
    %swap3A_229 = arith.constant 0 : index
    %swap3A_230 = arith.constant 0 : index
    %swap3A_231 = vector.load %arg2[%swap3A_228, %swap3A_229, %swap3A_230] : memref<32x8x64xf32, #tpu.memory_space<vmem>>, vector<1x8x64xf32>
    %swap3A_232 = vector.shape_cast %swap3A_231 : vector<1x8x64xf32> to vector<8x64xf32>
    %swap3A_233 = vector.shape_cast %slice3A_227 : vector<8x64xf32> to vector<1x8x64xf32>
    tpu.vector_store %arg2[%swap3A_228, %swap3A_229, %swap3A_230], %swap3A_233 {strides = array<i32>} : memref<32x8x64xf32, #tpu.memory_space<vmem>>, vector<1x8x64xf32>,
    return
  }
}

module attributes {stable_mosaic.version = 14 : i64} {
  func.func @_ffn_kernel(%arg0: i32, %arg1: memref<2048x1xi32, #tpu.memory_space<vmem>>, %arg2: memref<2048x1xi32, #tpu.memory_space<vmem>>, %arg3: memref<2048x1xf32, #tpu.memory_space<vmem>>, %arg4: memref<2048x1xf32, #tpu.memory_space<vmem>>, %arg5: memref<2048x1024xbf16, #tpu.memory_space<vmem>>, %arg6: memref<1x512x1024xf32, #tpu.memory_space<vmem>>, %arg7: memref<1x512x1024xf32, #tpu.memory_space<vmem>>, %arg8: memref<1x1024x512xf32, #tpu.memory_space<vmem>>, %arg9: memref<2048x1024xf32, #tpu.memory_space<vmem>>) attributes {dimension_semantics = [#tpu.dimension_semantics<arbitrary>], iteration_bounds = array<i64: 8>, scalar_prefetch = 0 : i64, scratch_operands = 0 : i64, tpu.core_type = #tpu.core_type<tc>, window_params = [{pipeline_mode = #tpu.pipeline_mode<synchronous>, transform_indices = @transform_0, window_bounds = array<i64: 2048, 1>}, {pipeline_mode = #tpu.pipeline_mode<synchronous>, transform_indices = @transform_1, window_bounds = array<i64: 2048, 1>}, {pipeline_mode = #tpu.pipeline_mode<synchronous>, transform_indices = @transform_2, window_bounds = array<i64: 2048, 1>}, {pipeline_mode = #tpu.pipeline_mode<synchronous>, transform_indices = @transform_3, window_bounds = array<i64: 2048, 1>}, {pipeline_mode = #tpu.pipeline_mode<synchronous>, transform_indices = @transform_4, window_bounds = array<i64: 2048, 1024>}, {transform_indices = @transform_5, window_bounds = array<i64: 1, 512, 1024>}, {transform_indices = @transform_6, window_bounds = array<i64: 1, 512, 1024>}, {transform_indices = @transform_7, window_bounds = array<i64: 1, 1024, 512>}, {pipeline_mode = #tpu.pipeline_mode<synchronous>, transform_indices = @transform_8, window_bounds = array<i64: 2048, 1024>}]} {
    %get3A = arith.constant 0 : index
    %get3A_0 = arith.constant 0 : index
    %get3A_1 = vector.load %arg1[%get3A, %get3A_0] : memref<2048x1xi32, #tpu.memory_space<vmem>>, vector<2048x1xi32>
    %eq3A = vector.broadcast %arg0 : i32 to vector<2048x1xi32>
    %eq3A_2 = arith.cmpi eq, %get3A_1, %eq3A : vector<2048x1xi32>
    %get3A_3 = arith.constant 0 : index
    %get3A_4 = arith.constant 0 : index
    %get3A_5 = vector.load %arg3[%get3A_3, %get3A_4] : memref<2048x1xf32, #tpu.memory_space<vmem>>, vector<2048x1xf32>
    %jit3A = arith.constant 0.000000e+00 : f32
    %broadcast_in_dim3A = vector.broadcast %jit3A : f32 to vector<2048x1xf32>
    %select_n3A = arith.select %eq3A_2, %get3A_5, %broadcast_in_dim3A : vector<2048x1xi1>, vector<2048x1xf32>
    %get3A_6 = arith.constant 0 : index
    %get3A_7 = arith.constant 0 : index
    %get3A_8 = vector.load %arg2[%get3A_6, %get3A_7] : memref<2048x1xi32, #tpu.memory_space<vmem>>, vector<2048x1xi32>
    %eq3A_9 = vector.broadcast %arg0 : i32 to vector<2048x1xi32>
    %eq3A_10 = arith.cmpi eq, %get3A_8, %eq3A_9 : vector<2048x1xi32>
    %get3A_11 = arith.constant 0 : index
    %get3A_12 = arith.constant 0 : index
    %get3A_13 = vector.load %arg4[%get3A_11, %get3A_12] : memref<2048x1xf32, #tpu.memory_space<vmem>>, vector<2048x1xf32>
    %jit3A_14 = arith.constant 0.000000e+00 : f32
    %broadcast_in_dim3A_15 = vector.broadcast %jit3A_14 : f32 to vector<2048x1xf32>
    %select_n3A_16 = arith.select %eq3A_10, %get3A_13, %broadcast_in_dim3A_15 : vector<2048x1xi1>, vector<2048x1xf32>
    %add3A = arith.addf %select_n3A, %select_n3A_16 : vector<2048x1xf32>
    %get3A_17 = arith.constant 0 : index
    %get3A_18 = arith.constant 0 : index
    %get3A_19 = vector.load %arg5[%get3A_17, %get3A_18] : memref<2048x1024xbf16, #tpu.memory_space<vmem>>, vector<2048x1024xbf16>
    %get3A_20 = arith.constant 0 : index
    %get3A_21 = arith.constant 0 : index
    %get3A_22 = arith.constant 0 : index
    %get3A_23 = vector.load %arg6[%get3A_20, %get3A_21, %get3A_22] : memref<1x512x1024xf32, #tpu.memory_space<vmem>>, vector<1x512x1024xf32>
    %get3A_24 = vector.shape_cast %get3A_23 : vector<1x512x1024xf32> to vector<512x1024xf32>
    %convert_element_type3A = arith.truncf %get3A_24 : vector<512x1024xf32> to vector<512x1024xbf16>
    %dot_general3A = arith.constant dense<0.000000e+00> : vector<2048x512xf32>
    %dot_general3A_25 = tpu.matmul %get3A_19, %convert_element_type3A, %dot_general3A {dimension_numbers = #tpu.dot_dimension_numbers<[1], [1], [0], [0], [0, 0, 1, 0], [], []>, transpose_lhs_hint = false} : vector<2048x1024xbf16>, vector<512x1024xbf16>, vector<2048x512xf32> -> vector<2048x512xf32>
    %get3A_26 = arith.constant 0 : index
    %get3A_27 = arith.constant 0 : index
    %get3A_28 = arith.constant 0 : index
    %get3A_29 = vector.load %arg7[%get3A_26, %get3A_27, %get3A_28] : memref<1x512x1024xf32, #tpu.memory_space<vmem>>, vector<1x512x1024xf32>
    %get3A_30 = vector.shape_cast %get3A_29 : vector<1x512x1024xf32> to vector<512x1024xf32>
    %convert_element_type3A_31 = arith.truncf %get3A_30 : vector<512x1024xf32> to vector<512x1024xbf16>
    %dot_general3A_32 = arith.constant dense<0.000000e+00> : vector<2048x512xf32>
    %dot_general3A_33 = tpu.matmul %get3A_19, %convert_element_type3A_31, %dot_general3A_32 {dimension_numbers = #tpu.dot_dimension_numbers<[1], [1], [0], [0], [0, 0, 1, 0], [], []>, transpose_lhs_hint = false} : vector<2048x1024xbf16>, vector<512x1024xbf16>, vector<2048x512xf32> -> vector<2048x512xf32>
    %logistic3A = arith.negf %dot_general3A_25 : vector<2048x512xf32>
    %logistic3A_34 = math.exp %logistic3A : vector<2048x512xf32>
    %logistic3A_35 = arith.constant 1.000000e+00 : f32
    %logistic3A_36 = vector.broadcast %logistic3A_35 : f32 to vector<2048x512xf32>
    %logistic3A_37 = arith.addf %logistic3A_36, %logistic3A_34 : vector<2048x512xf32>
    %logistic3A_38 = arith.divf %logistic3A_36, %logistic3A_37 : vector<2048x512xf32>
    %mul3A = arith.mulf %dot_general3A_25, %logistic3A_38 : vector<2048x512xf32>
    %mul3A_39 = arith.mulf %mul3A, %dot_general3A_33 : vector<2048x512xf32>
    %convert_element_type3A_40 = arith.truncf %mul3A_39 : vector<2048x512xf32> to vector<2048x512xbf16>
    %get3A_41 = arith.constant 0 : index
    %get3A_42 = arith.constant 0 : index
    %get3A_43 = arith.constant 0 : index
    %get3A_44 = vector.load %arg8[%get3A_41, %get3A_42, %get3A_43] : memref<1x1024x512xf32, #tpu.memory_space<vmem>>, vector<1x1024x512xf32>
    %get3A_45 = vector.shape_cast %get3A_44 : vector<1x1024x512xf32> to vector<1024x512xf32>
    %convert_element_type3A_46 = arith.truncf %get3A_45 : vector<1024x512xf32> to vector<1024x512xbf16>
    %dot_general3A_47 = arith.constant dense<0.000000e+00> : vector<2048x1024xf32>
    %dot_general3A_48 = tpu.matmul %convert_element_type3A_40, %convert_element_type3A_46, %dot_general3A_47 {dimension_numbers = #tpu.dot_dimension_numbers<[1], [1], [0], [0], [0, 0, 1, 0], [], []>, transpose_lhs_hint = false} : vector<2048x512xbf16>, vector<1024x512xbf16>, vector<2048x1024xf32> -> vector<2048x1024xf32>
    %mul3A_49 = vector.broadcast %add3A : vector<2048x1xf32> to vector<2048x1024xf32>
    %mul3A_50 = arith.mulf %mul3A_49, %dot_general3A_48 : vector<2048x1024xf32>
    %eq3A_51 = arith.constant 0 : i32
    %eq3A_52 = arith.cmpi eq, %arg0, %eq3A_51 : i32
    %convert_element_type3A_53 = arith.extui %eq3A_52 : i1 to i32
    %cond3A = arith.constant 0 : i32
    %cond3A_54 = arith.cmpi ne, %convert_element_type3A_53, %cond3A : i32
    scf.if %cond3A_54 {
      %swap3A = arith.constant 0 : index
      %swap3A_59 = arith.constant 0 : index
      %swap3A_60 = vector.load %arg9[%swap3A, %swap3A_59] : memref<2048x1024xf32, #tpu.memory_space<vmem>>, vector<2048x1024xf32>
      tpu.vector_store %arg9[%swap3A, %swap3A_59], %mul3A_50 {strides = array<i32>} : memref<2048x1024xf32, #tpu.memory_space<vmem>>, vector<2048x1024xf32>,
    } else {
    }
    %gt3A = arith.constant 0 : i32
    %gt3A_55 = arith.cmpi sgt, %arg0, %gt3A : i32
    %convert_element_type3A_56 = arith.extui %gt3A_55 : i1 to i32
    %cond3A_57 = arith.constant 0 : i32
    %cond3A_58 = arith.cmpi ne, %convert_element_type3A_56, %cond3A_57 : i32
    scf.if %cond3A_58 {
      %get3A_59 = arith.constant 0 : index
      %get3A_60 = arith.constant 0 : index
      %get3A_61 = vector.load %arg9[%get3A_59, %get3A_60] : memref<2048x1024xf32, #tpu.memory_space<vmem>>, vector<2048x1024xf32>
      %add3A_62 = arith.addf %get3A_61, %mul3A_50 : vector<2048x1024xf32>
      %swap3A = arith.constant 0 : index
      %swap3A_63 = arith.constant 0 : index
      %swap3A_64 = vector.load %arg9[%swap3A, %swap3A_63] : memref<2048x1024xf32, #tpu.memory_space<vmem>>, vector<2048x1024xf32>
      tpu.vector_store %arg9[%swap3A, %swap3A_63], %add3A_62 {strides = array<i32>} : memref<2048x1024xf32, #tpu.memory_space<vmem>>, vector<2048x1024xf32>,
    } else {
    }
    return
  }
  func.func @transform_0(%arg0: i32) -> (i32, i32) {
    %c0_i32 = arith.constant 0 : i32
    %c0_i32_0 = arith.constant 0 : i32
    %c0_i32_1 = arith.constant 0 : i32
    return %c0_i32, %c0_i32_0 : i32, i32
  }
  func.func @transform_1(%arg0: i32) -> (i32, i32) {
    %c0_i32 = arith.constant 0 : i32
    %c0_i32_0 = arith.constant 0 : i32
    %c0_i32_1 = arith.constant 0 : i32
    return %c0_i32, %c0_i32_0 : i32, i32
  }
  func.func @transform_2(%arg0: i32) -> (i32, i32) {
    %c0_i32 = arith.constant 0 : i32
    %c0_i32_0 = arith.constant 0 : i32
    %c0_i32_1 = arith.constant 0 : i32
    return %c0_i32, %c0_i32_0 : i32, i32
  }
  func.func @transform_3(%arg0: i32) -> (i32, i32) {
    %c0_i32 = arith.constant 0 : i32
    %c0_i32_0 = arith.constant 0 : i32
    %c0_i32_1 = arith.constant 0 : i32
    return %c0_i32, %c0_i32_0 : i32, i32
  }
  func.func @transform_4(%arg0: i32) -> (i32, i32) {
    %c0_i32 = arith.constant 0 : i32
    %c0_i32_0 = arith.constant 0 : i32
    %c0_i32_1 = arith.constant 0 : i32
    return %c0_i32, %c0_i32_0 : i32, i32
  }
  func.func @transform_5(%arg0: i32) -> (i32, i32, i32) {
    %c0_i32 = arith.constant 0 : i32
    %c0_i32_0 = arith.constant 0 : i32
    %c0_i32_1 = arith.constant 0 : i32
    return %arg0, %c0_i32, %c0_i32_0 : i32, i32, i32
  }
  func.func @transform_6(%arg0: i32) -> (i32, i32, i32) {
    %c0_i32 = arith.constant 0 : i32
    %c0_i32_0 = arith.constant 0 : i32
    %c0_i32_1 = arith.constant 0 : i32
    return %arg0, %c0_i32, %c0_i32_0 : i32, i32, i32
  }
  func.func @transform_7(%arg0: i32) -> (i32, i32, i32) {
    %c0_i32 = arith.constant 0 : i32
    %c0_i32_0 = arith.constant 0 : i32
    %c0_i32_1 = arith.constant 0 : i32
    return %arg0, %c0_i32, %c0_i32_0 : i32, i32, i32
  }
  func.func @transform_8(%arg0: i32) -> (i32, i32) {
    %c0_i32 = arith.constant 0 : i32
    %c0_i32_0 = arith.constant 0 : i32
    %c0_i32_1 = arith.constant 0 : i32
    return %c0_i32, %c0_i32_0 : i32, i32
  }
}

</mosaic_0001>

<sc_bundles>
// kernel: kernel.5.cloned.1.call-start
scs
__scs_entry_jumppad:
0x0: {  	(pc) =	sbr.rel $0x88, $3  }
0x1: {  	(tag) =	ssettag $0x0;
	lr =	simm.s32 $0x1  }
0x2: {  	[smem:$0x3F9C] =	sst lr;
	_ =	strace $0xD0000000  }
0x3: {  	_ = 	snop  }
0x4: {  	_ = 	snop  }
0x5: {  	_ = 	snop  }
0x6: {  	_ = 	snop  }
0x7: {  	_ = 	snop  }
__scs_overlays_trampoline_lowered:
0x8: {  	[smem:$0x3FAB] =	sst s0  }
0x9: {  	[smem:$0x3FAC] =	sst s1  }
0xa: {  	[smem:$0x3FAD] =	sst s2  }
0xb: {  	[smem:$0x3FAE] =	sst s3  }
0xc: {  	[smem:$0x3FAF] =	sst s4  }
0xd: {  	[smem:$0x3FB0] =	sst s5  }
0xe: {  	[smem:$0x3FB1] =	sst s6  }
0xf: {  	[smem:$0x3FB2] =	sst s7  }
0x10: {  	[smem:$0x3FB3] =	sst s8  }
0x11: {  	[smem:$0x3FB4] =	sst s9;
	s0 =	simm.s32 @!p0 $0x0  }
0x12: {  	s1 =	sld [smem:$0x3F9A];
	s0 =	simm.s32 @p0 $0x1  }
0x13: {  	[smem:$0x3FB5] =	sst s0;
	s0 =	simm.s32 @!p1 $0x0  }
0x14: {  	s2 =	sld [smem:$0x3F99];
	s0 =	simm.s32 @p1 $0x1  }
0x15: {  	[smem:$0x3FB6] =	sst s0;
	s0 =	simm.s32 @!p2 $0x0  }
0x16: {  	s3 =	sld [smem:$0x3FDB];
	s0 =	simm.s32 @p2 $0x1  }
0x17: {  	s4 =	simm.s32 $0x1BF5;
	[smem:$0x3FB8] =	sst s0  }
0x18: {  	s0 =	sld [smem:$0x3F9B];
	_ =	swait.ge [sflag:s4], $0x0  }
0x19: {  	s7 =	sld [smem:$0x3F9C]  }
0x1a: {  	s8 =	sadd.s32 $0xFFFFE003, lr  }
0x1b: {  	s9 =	sadd.s32 $0xFFFFFEF7, lr;
	s5 =	simm.s32 $0xFFFFFFFF;
	p2 =	slt.u32 s8, $0xFFFFF086  }
0x1c: {  	p1 =	slt.u32 s9, $0xF7A;
	s5 =	simm.s32 @!p2 $0x0  }
0x1d: {  	s5 =	simm.s32 @p1 $0x1;
	p0 =	seq.s32 s7, s2  }
0x1e: {  	s7 =	smul.u32 @!p0 $0xF7A, s2;
	p2 =	seq.s32 @!p0 s5, $0x0  }
0x1f: {  	s9 =	smul.u32 $0xF7A, s1;
	s8 =	simm.s32 @!p0 $0x1BF5;
	p2 =	por !p2, p0  }
0x20: {  	[sflag:s8] =	ssyncset.s32 @!p0 $0xFFFFF086;
	s6 =	sadd.s32 @!p0 s3, s7;
	s7 =	simm.s32 @!p0 $0x108  }
0x21: {  	s3 =	sadd.s32 s3, s9;
	s6 =	sadd.s32 @!p0 $0x88, s6;
	s7 =	simm.s32 @p2 $0x1082  }
0x22: {  	[simem:s7], [sflag:s8] =	dma.local @!p0 [hbm:s6], $0xF7A  }
0x23: {  	s9 =	sor.u32 $0xD0000000, s2;
	s6 =	simm.s32 $0x108;
	_ =	swait.ge @!p0 [sflag:s8], $0x0  }
0x24: {  	s3 =	sadd.s32 $0x88, s3;
	s6 =	simm.s32 @!p1 $0x1082;
	[sflag:s4] =	ssyncset.s32 $0xFFFFF086  }
0x25: {  	[simem:s6], [sflag:s4] =	dma.local [hbm:s3], $0xF7A  }
0x26: {  	[smem:$0x3F9C] =	sst s1;
	(tag) =	ssettag s2;
	_ =	strace s9  }
0x27: {  	s1 =	sld [smem:$0x3FAC]  }
0x28: {  	s2 =	sld [smem:$0x3FAD]  }
0x29: {  	s4 =	sld [smem:$0x3FAF]  }
0x2a: {  	p0 =	seq.s32 s5, $0x0;
	s5 =	sld [smem:$0x3FB0]  }
0x2b: {  	s6 =	sld [smem:$0x3FB1]  }
0x2c: {  	s7 =	sld [smem:$0x3FB2]  }
0x2d: {  	s3 =	simm.s32 $0x108;
	s8 =	sld [smem:$0x3FB3]  }
0x2e: {  	s3 =	simm.s32 @!p0 $0x1082;
	s9 =	sld [smem:$0x3FB4]  }
0x2f: {  	lr =	sadd.s32 s0, s3;
	s0 =	sld [smem:$0x3FAB]  }
0x30: {  	s3 =	sld [smem:$0x3FAE]  }
0x31: {  	[smem:$0x3FB7] =	sst s10  }
0x32: {  	s10 =	sld [smem:$0x3FB5];
	_ =	sdelay $0x3  }
0x33: {  	p0 =	seq.s32 s10, $0x1;
	s10 =	sld [smem:$0x3FB7];
	_ =	sdelay $0x3  }
0x34: {  	[smem:$0x3FB7] =	sst s10  }
0x35: {  	s10 =	sld [smem:$0x3FB6];
	_ =	sdelay $0x3  }
0x36: {  	p1 =	seq.s32 s10, $0x1;
	s10 =	sld [smem:$0x3FB7];
	_ =	sdelay $0x3  }
0x37: {  	[smem:$0x3FB7] =	sst s10  }
0x38: {  	s10 =	sld [smem:$0x3FB8]  }
0x39: {  	_ = 	snop;
	(pc) =	sbr.ind lr, $3  }
0x3a: {  	_ = 	snop  }
0x3b: {  	_ = 	snop  }
0x3c: {  	p2 =	seq.s32 s10, $0x1;
	s10 =	sld [smem:$0x3FB7]  }
0x3d: {  	_ =	shalt  }
0x3e: {  	_ =	shalt  }
0x3f: {  	_ =	shalt  }
0x40: {  	_ =	shalt  }
0x41: {  	_ =	shalt  }
0x42: {  	_ =	shalt  }
0x43: {  	_ =	shalt  }
0x44: {  	_ =	shalt  }
0x45: {  	_ =	shalt  }
0x46: {  	_ =	shalt  }
0x47: {  	_ =	shalt  }
0x48: {  	_ =	shalt  }
0x49: {  	_ =	shalt  }
0x4a: {  	_ =	shalt  }
0x4b: {  	_ =	shalt  }
0x4c: {  	_ =	shalt  }
0x4d: {  	_ =	shalt  }
0x4e: {  	_ =	shalt  }
0x4f: {  	_ =	shalt  }
0x50: {  	_ =	shalt  }
0x51: {  	_ =	shalt  }
0x52: {  	_ =	shalt  }
0x53: {  	_ =	shalt  }
0x54: {  	_ =	shalt  }
0x55: {  	_ =	shalt  }
0x56: {  	_ =	shalt  }
0x57: {  	_ =	shalt  }
0x58: {  	_ =	shalt  }
0x59: {  	_ =	shalt  }
0x5a: {  	_ =	shalt  }
0x5b: {  	_ =	shalt  }
0x5c: {  	_ =	shalt  }
0x5d: {  	_ =	shalt  }
0x5e: {  	_ =	shalt  }
0x5f: {  	_ =	shalt  }
0x60: {  	_ =	shalt  }
0x61: {  	_ =	shalt  }
0x62: {  	_ =	shalt  }
0x63: {  	_ =	shalt  }
0x64: {  	_ =	shalt  }
0x65: {  	_ =	shalt  }
0x66: {  	_ =	shalt  }
0x67: {  	_ =	shalt  }
0x68: {  	_ =	shalt  }
0x69: {  	_ =	shalt  }
0x6a: {  	_ =	shalt  }
0x6b: {  	_ =	shalt  }
0x6c: {  	_ =	shalt  }
0x6d: {  	_ =	shalt  }
0x6e: {  	_ =	shalt  }
0x6f: {  	_ =	shalt  }
0x70: {  	_ =	shalt  }
0x71: {  	_ =	shalt  }
0x72: {  	_ =	shalt  }
0x73: {  	_ =	shalt  }
0x74: {  	_ =	shalt  }
0x75: {  	_ =	shalt  }
0x76: {  	_ =	shalt  }
0x77: {  	_ =	shalt  }
0x78: {  	_ =	shalt  }
0x79: {  	_ =	shalt  }
0x7a: {  	_ =	shalt  }
0x7b: {  	_ =	shalt  }
0x7c: {  	_ =	shalt  }
0x7d: {  	_ =	shalt  }
0x7e: {  	_ =	shalt  }
0x7f: {  	_ =	shalt  }
0x80: {  	_ =	shalt  }
0x81: {  	_ =	shalt  }
0x82: {  	_ =	shalt  }
0x83: {  	_ =	shalt  }
0x84: {  	_ =	shalt  }
0x85: {  	_ =	shalt  }
0x86: {  	_ =	shalt  }
0x87: {  	_ =	shalt  }
.Lfunc_end0:
.L_simem_size_0:
called_computation_lowered:
.L_overlay_start_0:
0x88: {  	s2 =	sld [smem:$0x3FD9]  }
0x89: {  	s3 =	sld [smem:$0x3FFE];
	_ =	sdelay $0x1  }
0x8a: {  	s1 =	srdreg.scid  }
0x8b: {  	s0 =	sand.u32 $0x1, s1  }
0x8c: {  	s17 =	sshll.u32 s0, $0xA;
	s2 =	sadd.s32 s3, s2  }
0x8d: {  	s2 =	sadd.s32 s2, s17  }
0x8e: {  	[smem:$0x3FC3] =	sst s2  }
0x8f: {  	_ = 	snop  }
0x90: {  	s2 =	sld [smem:$0x3FD0];
	(tm) =	ssettm $0x1  }
0x91: {  	s18 =	sld [smem:$0x3FFB];
	_ =	sdelay $0x3  }
0x92: {  	_ =	strace s18  }
0x93: {  	s3 =	sld [smem:$0x3FFC];
	_ =	sdelay $0x3  }
0x94: {  	_ =	strace s3  }
0x95: {  	s3 =	sld [smem:$0x3FFD];
	_ =	sdelay $0x3  }
0x96: {  	_ =	strace s3  }
0x97: {  	_ =	strace $0x8FFFFFFF  }
0x98: {  	s19 =	sld [smem:$0x3FDB];
	_ =	sdelay $0x1  }
0x99: {  	s4 =	simm.s32 $_scs_section_size  }
0x9a: {  	s5 =	simm.s32 $_size__tile_overlayer_lowered;
	s6 =	simm.s32 $_tile_overlayer_lowered  }
0x9b: {  	s22 =	simm.s32 $0x1BFF;
	s21 =	sshll.u32 s6, $0x1;
	s3 =	sadd.s32 s4, s19  }
0x9c: {  	s7 =	simm.s32 $0x0;
	s20 =	sshll.u32 s5, $0x1;
	s5 =	sadd.s32 s21, s3  }
0x9d: {  	[timem:s7], [sflag:s22] =	dma.local [hbm:s5], s20  }
0x9e: {  	_ =	swait.ge [sflag:s22], s20  }
0x9f: {  	s4 =	ssub.s32 $0x0, s20;
	[sflag:s22] =	ssyncset.done $0x0  }
0xa0: {  	[sflag:s22] =	ssyncadd.s32 s4;
	_ =	sdelay $0x1  }
0xa1: {  	s23 =	simm.s32 $0x1B8B  }
0xa2: {  	_ =	swait.ge [sflag:s23], $0x1  }
0xa3: {  	[sflag:s23] =	ssyncset.done $0x0  }
0xa4: {  	s25 =	simm.s32 $0x1B8E;
	s24 =	sld [smem:$0x3FFE];
	[sflag:s23] =	ssyncadd.s32 $0xFFFFFFFF  }
0xa5: {  	s26 =	simm.s32 $execute0_lowered;
	[smem:$0x3FD2] =	sst s25  }
0xa6: {  	s5 =	sshll.u32 s26, $0x1;
	_ =	strace $0x80000046;
	[dreg:$0x1] =	wrdreg $0xFFFFFFFF  }
0xa7: {  	s28 =	simm.s32 $_size_execute0_lowered;
	s3 =	sadd.s32 s3, s5;
	[dreg:$0x0] =	wrdreg $0x0  }
0xa8: {  	s5 =	sshll.u32 s28, $0x1;
	[dreg:$0x2] =	wrdreg s3  }
0xa9: {  	[dreg:$0x3] =	wrdreg s5  }
0xaa: {  	[dreg:$0x4] =	wrdreg $0xC0  }
0xab: {  	_ =	task [dreg:s7], $0x5FFFF  }
0xac: {  	[dreg:$0x1] =	wrdreg $0xFFFFFFFF  }
0xad: {  	[dreg:$0x0] =	wrdreg $0x60  }
0xae: {  	[dreg:$0x2] =	wrdreg s2  }
0xaf: {  	[dreg:$0x3] =	wrdreg s24  }
0xb0: {  	[dreg:$0x4] =	wrdreg $0x9  }
0xb1: {  	_ =	task.clear_ibuf [dreg:s7], $0x5FFFF;
	_ =	strace $0x90000046  }
0xb2: {  	s29 =	simm.s32 $0x9;
	_ =	strace $0x80000048  }
0xb3: {  	_ =	swait.ge [sflag:s29], $0x1  }
0xb4: {  	[sflag:s29] =	ssyncadd.s32 $0xFFFFFFFF  }
0xb5: {  	_ =	strace $0x90000048  }
0xb6: {  	_ =	sfence  }
0xb7: {  	s30 =	sld [smem:$0x0];
	_ =	sdelay $0x2  }
0xb8: {  	s31 =	sshll.u32 s1, $0xD;
	s1 =	sshrl.u32 s1, $0x2  }
0xb9: {  	s3 =	sand.u32 $0x4000, s31;
	s1 =	sadd.s32 s1, s30  }
0xba: {  	s0 =	sor.u32 s3, s0;
	s1 =	sshll.u32 s1, $0x11  }
0xbb: {  	s0 =	sor.u32 s1, s0  }
0xbc: {  	s0 =	sadd.s32 $0x8F2B, s0  }
0xbd: {  	[sflag:s0] =	ssyncadd.remote.s32 $0x1  }
0xbe: {  	_ =	sfence.sel $0xFFFF  }
0xbf: {  	[dreg:$0x0] =	wrdreg $0xFFFFFFFF;
	(pc) =	sbr.abs _section_cstart, $3  }
0xc0: {  	[dreg:$0x1] =	wrdreg $0xFFFFFFFF  }
0xc1: {  	_ =	task.clear_ibuf [dreg:s7], $0x2FFFF;
	_ =	strace $0x9FFFFFFF  }
0xc2: {  	(tm) =	ssettm $0x7FFFFFFF  }
0xc3: {  	_ =	shalt  }
tec
execute0_lowered:
.L_overlay_start_1:
0x0: {  	(tag) =	ssettag $0x1  }
0x1: {  	s3 =	rddreg [dreg:$0x0]  }
0x2: {  	s1 =	srdreg.scid;
	s0 =	stileid.u32  }
0x3: {  	s5 =	rddreg [dreg:$0x1];
	s6 =	sand.u32 $0x1, s1;
	s4 =	sshll.u32 s0, $0x1  }
0x4: {  	s2 =	simm.s32 $0x0;
	s1 =	rddreg [dreg:$0x2];
	s7 =	sor.u32 s6, s4  }
0x5: {  	[smem:$0x7FF] =	sst s2;
	s4 =	sshll.u32 s7, $0x7  }
0x6: {  	_ =	strace $0x80000047;
	s4 =	sadd.s32 s3, s4;
	s3 =	simm.s32 $0x1  }
0x7: {  	[tilespmem:s2], [sflag:$0x1] =	stream.linear.gather [hbm4b:s4+s2], $0x400, $0x38;
	[tilespmem:$0x600] =	vst v63  }
0x8: {  	_ =	swait.ge [sflag:s3], $0x400  }
0x9: {  	[sflag:s3] =	ssyncset.done $0x0  }
0xa: {  	[sflag:s3] =	ssyncadd.s32 $0xFFFFFC00  }
0xb: {  	v6 =	vld [tilespmem:$0x90]  }
0xc: {  	v9 =	vld [tilespmem:$0x2B0]  }
0xd: {  	v10 =	vld [tilespmem:$0x280]  }
0xe: {  	v11 =	vld [tilespmem:$0x0]  }
0xf: {  	v12 =	vld [tilespmem:$0x230]  }
0x10: {  	v13 =	vld [tilespmem:$0x200]  }
0x11: {  	v14 =	vld [tilespmem:$0x80]  }
0x12: {  	v15 =	vld [tilespmem:$0xB0]  }
0x13: {  	v16 =	vld [tilespmem:$0x30]  }
0x14: {  	v17 =	vld [tilespmem:$0x10]  }
0x15: {  	v35 =	vld [tilespmem:$0x210]  }
0x16: {  	v39 =	vld [tilespmem:$0x290]  }
0x17: {  	v43 =	vld [tilespmem:$0x20]  }
0x18: {  	v46 =	vld [tilespmem:$0xA0]  }
0x19: {  	v2 =	vld [tilespmem:$0x180]  }
0x1a: {  	v0 =	vimm.s32 $0x0;
	v5 =	vld [tilespmem:$0x100]  }
0x1b: {  	v1 =	vimm.s32 $0x4;
	v7 =	vld [tilespmem:$0x330];
	vm0 =	vgt.f32 v9, v12;
	vm1 =	vgt.f32 v10, v13  }
0x1c: {  	v8 =	vld [tilespmem:$0x300];
	vm13 =	vgt.f32 v14, v11;
	vm4 =	vgt.f32 v15, v16;
	vm5 =	vgt.f32 v6, v17  }
0x1d: {  	v36 =	vld [tilespmem:$0x110];
	vm15 =	vgt.f32 v39, v35;
	vm9 =	vgt.f32 v46, v43;
	v19 =	vsel vm0, $0x5, v1  }
0x1e: {  	v4 =	vld [tilespmem:$0x130];
	v9 =	vsel vm0, v9, v12;
	v20 =	vsel vm1, $0x5, v1;
	v11 =	vsel vm13, v14, v11  }
0x1f: {  	v3 =	vld [tilespmem:$0x3B0];
	v10 =	vsel vm1, v10, v13;
	v21 =	vsel vm13, $0x1, v0;
	v40 =	vsel vm4, v15, v16  }
0x20: {  	v18 =	vld [tilespmem:$0x380];
	v6 =	vsel vm5, v6, v17;
	v44 =	vsel vm4, $0x1, v0;
	v45 =	vsel vm5, $0x1, v0  }
0x21: {  	v38 =	vld [tilespmem:$0x1B0];
	v51 =	vsel vm9, $0x1, v0;
	v57 =	vsel vm15, $0x5, v1;
	vm2 =	vgt.f32 v7, v9  }
0x22: {  	v22 =	vld [tilespmem:$0x190];
	vm1 =	vgt.f32 v5, v11;
	vm3 =	vgt.f32 v8, v10;
	vm14 =	vgt.f32 v36, v6  }
0x23: {  	v41 =	vld [tilespmem:$0x310];
	vm7 =	vgt.f32 v4, v40;
	v37 =	vsel vm2, $0x6, v19;
	v7 =	vsel vm2, v7, v9  }
0x24: {  	v48 =	vld [tilespmem:$0x120];
	v5 =	vsel vm1, v5, v11;
	v42 =	vsel vm3, $0x6, v20;
	v8 =	vsel vm3, v8, v10  }
0x25: {  	v47 =	vld [tilespmem:$0x390];
	v6 =	vsel vm14, v36, v6;
	v20 =	vsel vm14, $0x2, v45;
	v9 =	vsel vm15, v39, v35  }
0x26: {  	v23 =	vld [tilespmem:$0x220];
	v4 =	vsel vm7, v4, v40;
	v10 =	vsel vm9, v46, v43;
	vm2 =	vgt.f32 v2, v5  }
0x27: {  	v54 =	vsel vm7, $0x2, v44;
	vm0 =	vgt.f32 v3, v7;
	v2 =	vsel vm2, v2, v5;
	v5 =	vld [tilespmem:$0x2A0]  }
0x28: {  	v53 =	vld [tilespmem:$0x1A0];
	vm6 =	vgt.f32 v18, v8;
	vm3 =	vgt.f32 v22, v6;
	vm8 =	vgt.f32 v41, v9  }
0x29: {  	v50 =	vld [tilespmem:$0x320];
	vm5 =	vgt.f32 v38, v4;
	vm9 =	vgt.f32 v48, v10;
	v3 =	vsel vm0, v3, v7  }
0x2a: {  	v8 =	vsel vm6, v18, v8;
	v6 =	vsel vm3, v22, v6;
	v9 =	vsel vm8, v41, v9  }
0x2b: {  	v55 =	vld [tilespmem:$0x3A0];
	v4 =	vsel vm5, v38, v4;
	v12 =	vsel vm9, $0x2, v51;
	v10 =	vsel vm9, v48, v10  }
0x2c: {  	v49 =	vmax.f32 v2, v8;
	vm4 =	vgt.f32 v47, v9;
	vm12 =	vgt.f32 v5, v23  }
0x2d: {  	v52 =	vmax.f32 v4, v3;
	vm14 =	vgt.f32 v53, v10;
	v5 =	vsel vm12, v5, v23  }
0x2e: {  	v7 =	vsel vm4, v47, v9;
	v3 =	vsub.f32 v3, v52;
	vm13 =	vgt.f32 v50, v5  }
0x2f: {  	v2 =	vsub.f32 v2, v49;
	v10 =	vsel vm14, v53, v10;
	v5 =	vsel vm13, v50, v5  }
0x30: {  	v4 =	vsub.f32 v4, v52;
	v3 =	vmul.f32 $1.442695020e+00, v3;
	vm15 =	vgt.f32 v55, v5  }
0x31: {  	v56 =	vmax.f32 v6, v7;
	v2 =	vmul.f32 $1.442695020e+00, v2;
	v5 =	vsel vm15, v55, v5  }
0x32: {  	v58 =	vsel vm12, $0x5, v1;
	(erf) = vpow2.f32 v3;
	v3 =	vmax.f32 v10, v5  }
0x33: {  	(erf) = vpow2.f32 v2;
	v2 =	vsub.f32 v6, v56;
	v10 =	vsub.f32 v10, v3  }
0x34: {  	v60 =	vsub.f32 v8, v49;
	v59 =	vsel vm13, $0x6, v58;
	v3 =	vsub.f32 v5, v3  }
0x35: {  	v62 =	vmul.f32 $1.442695020e+00, v2;
	v2 =	vsel vm14, $0x3, v12;
	v61 =	vmul.f32 $1.442695020e+00, v10  }
0x36: {  	v7 =	vsub.f32 v7, v56;
	[tilespmem:$0x420] =	vst v2;
	v5 =	vsel vm15, $0x7, v59;
	v3 =	vmul.f32 $1.442695020e+00, v3  }
0x37: {  	s6 =	ssub.s32 $0x2, s6;
	v2 =	vmul.f32 $1.442695020e+00, v60;
	[tilespmem:$0x4A0] =	vst v5;
	v5 =	vsel vm5, $0x3, v54;
	(erf) = vpow2.f32 v61  }
0x38: {  	s31 =	sshrl.u32 s6, $0x1;
	v4 =	vmul.f32 $1.442695020e+00, v4;
	[tilespmem:$0x430] =	vst v5;
	v5 =	vsel vm1, $0x2, v21;
	(erf) = vpow2.f32 v3  }
0x39: {  	s9 =	ssub.s32 s6, s31;
	v23 =	vsel vm8, $0x6, v57;
	(erf) = vpow2.f32 v2;
	v2 =	vsel vm2, $0x3, v5  }
0x3a: {  	s13 =	smax.u32 s9, $0x1;
	v3 =	vsel vm4, $0x7, v23  }
0x3b: {  	p0 =	sne.s32 s13, $0x1;
	[tilespmem:$0x490] =	vst v3;
	v3 =	vmul.f32 $1.442695020e+00, v7;
	(erf) = vpow2.f32 v4  }
.Ltmp0:
0x3c: {  	[tilespmem:$0x400] =	vst v2;
	v2 =	vpop (erf);
	(erf) = vpow2.f32 v62;
	(pc) =	sbr.rel @!p0 .LBB2_2-.Ltmp0, $4  }
0x3d: {  	s12 =	simm.s32 $0x400;
	s7 =	sshll.u32 s7, $0x3;
	v16 =	vsel vm6, $0x7, v42;
	(erf) = vpow2.f32 v3  }
0x3e: {  	s10 =	simm.s32 $0x480;
	s11 =	simm.s32 $0x500;
	s5 =	sadd.s32 s7, s5;
	v63 =	vsel vm3, $0x3, v20;
	[tilespmem:$0x480] =	vst v16  }
0x3f: {  	s8 =	sadd.s32 $0x1000, s5;
	s6 =	sadd.s32 $0xE00, s5;
	s7 =	sadd.s32 $0x1200, s5;
	[tilespmem:$0x410] =	vst v63;
	v4 =	vsel vm0, $0x7, v37  }
0x40: {  	s5 =	sadd.s32 $0x1400, s5;
	s9 =	simm.s32 $0x580;
	s13 =	sadd.s32 $0xFFFFFFFF, s13;
	[tilespmem:$0x4B0] =	vst v4;
	v3 =	vpop (erf)  }
.LBB2_1:
0x41: {  	p0 =	sne.s32 s13, $0x1;
	s13 =	sadd.s32 $0xFFFFFFFF, s13;
	v4 =	vpop (erf)  }
0x42: {  	v5 =	vpop (erf)  }
0x43: {  	v12 =	vadd.f32 v5, v4;
	v7 =	vpop (erf)  }
0x44: {  	v8 =	vadd.f32 v7, v3;
	v9 =	vpop (erf)  }
0x45: {  	v10 =	vadd.f32 v2, v9;
	v11 =	vpop (erf);
	(erf) = vrcp.f32 v12  }
0x46: {  	(erf) = vrcp.f32 v8;
	v6 =	vpop (erf)  }
0x47: {  	v8 =	vadd.f32 v6, v11;
	(erf) = vrcp.f32 v10;
	_ =	sdelay $0x1  }
0x48: {  	(erf) = vrcp.f32 v8;
	_ =	sdelay $0x4  }
0x49: {  	v8 =	vpop (erf)  }
0x4a: {  	v4 =	vmul.f32 v8, v4;
	v5 =	vmul.f32 v8, v5;
	v8 =	vpop (erf)  }
0x4b: {  	v10 =	vmul.f32 v8, v3;
	v7 =	vmul.f32 v8, v7;
	v8 =	vpop (erf)  }
0x4c: {  	[tilespmem:$0x5A0] =	vst v5;
	v5 =	vmul.f32 v8, v9;
	v2 =	vmul.f32 v8, v2  }
0x4d: {  	[tilespmem:$0x500] =	vst v10;
	v3 =	vpop (erf)  }
0x4e: {  	[tilespmem:$0x580] =	vst v7;
	v7 =	vmul.f32 v3, v11;
	v3 =	vmul.f32 v3, v6  }
0x4f: {  	[tilespmem:$0x530] =	vst v5  }
0x50: {  	[tilespmem:$0x520] =	vst v4  }
0x51: {  	[tilespmem:$0x590] =	vst v3  }
0x52: {  	[tilespmem:$0x510] =	vst v7;
	_ =	sdelay $0x4  }
0x53: {  	[tilespmem:$0x5B0] =	vst v2  }
0x54: {  	[hbm4b:s8+s2] =	stream.linear.scatter [tilespmem:s12], [sflag:$0x1], $0x40, $0x38;
	[tilespmem:$0x600] =	vst v63  }
0x55: {  	_ =	swait.ge [sflag:s3], $0x40  }
0x56: {  	[sflag:s3] =	ssyncset.done $0x0  }
0x57: {  	[sflag:s3] =	ssyncadd.s32 $0xFFFFFFC0  }
0x58: {  	[hbm4b:s6+s2] =	stream.linear.scatter [tilespmem:s10], [sflag:$0x1], $0x40, $0x38;
	[tilespmem:$0x600] =	vst v63  }
0x59: {  	_ =	swait.ge [sflag:s3], $0x40  }
0x5a: {  	[sflag:s3] =	ssyncset.done $0x0  }
0x5b: {  	[sflag:s3] =	ssyncadd.s32 $0xFFFFFFC0  }
0x5c: {  	[hbm4b:s7+s2] =	stream.linear.scatter [tilespmem:s11], [sflag:$0x1], $0x40, $0x38;
	[tilespmem:$0x600] =	vst v63  }
0x5d: {  	_ =	swait.ge [sflag:s3], $0x40  }
0x5e: {  	[sflag:s3] =	ssyncset.done $0x0  }
0x5f: {  	[sflag:s3] =	ssyncadd.s32 $0xFFFFFFC0  }
0x60: {  	[hbm4b:s5+s2] =	stream.linear.scatter [tilespmem:s9], [sflag:$0x1], $0x40, $0x38;
	[tilespmem:$0x600] =	vst v63  }
0x61: {  	_ =	swait.ge [sflag:s3], $0x40  }
0x62: {  	[sflag:s3] =	ssyncset.done $0x0  }
0x63: {  	[sflag:s3] =	ssyncadd.s32 $0xFFFFFFC0  }
0x64: {  	[tilespmem:s2], [sflag:$0x1] =	stream.linear.gather [hbm4b:s4+s2], $0x400, $0x38;
	[tilespmem:$0x600] =	vst v63  }
0x65: {  	_ =	swait.ge [sflag:s3], $0x400  }
0x66: {  	[sflag:s3] =	ssyncset.done $0x0  }
0x67: {  	[sflag:s3] =	ssyncadd.s32 $0xFFFFFC00  }
0x68: {  	v3 =	vld [tilespmem:$0x180]  }
0x69: {  	v4 =	vld [tilespmem:$0x3B0]  }
0x6a: {  	v5 =	vld [tilespmem:$0x130]  }
0x6b: {  	v6 =	vld [tilespmem:$0x100]  }
0x6c: {  	v7 =	vld [tilespmem:$0x90]  }
0x6d: {  	v8 =	vld [tilespmem:$0x330]  }
0x6e: {  	v9 =	vld [tilespmem:$0x300]  }
0x6f: {  	v2 =	vld [tilespmem:$0x2B0]  }
0x70: {  	v10 =	vld [tilespmem:$0xB0]  }
0x71: {  	v11 =	vld [tilespmem:$0x280]  }
0x72: {  	v12 =	vld [tilespmem:$0x0]  }
0x73: {  	v13 =	vld [tilespmem:$0x230]  }
0x74: {  	v14 =	vld [tilespmem:$0x200]  }
0x75: {  	v15 =	vld [tilespmem:$0x80]  }
0x76: {  	v16 =	vld [tilespmem:$0x30]  }
0x77: {  	v17 =	vld [tilespmem:$0x380]  }
0x78: {  	v18 =	vld [tilespmem:$0x10];
	vm0 =	vgt.f32 v2, v13  }
0x79: {  	vm1 =	vgt.f32 v11, v14;
	v19 =	vld [tilespmem:$0x210];
	v20 =	vsel vm0, $0x5, v1;
	v13 =	vsel vm0, v2, v13  }
0x7a: {  	vm2 =	vgt.f32 v15, v12;
	v21 =	vsel vm1, $0x5, v1;
	v22 =	vld [tilespmem:$0x1B0];
	vm3 =	vgt.f32 v8, v13  }
0x7b: {  	v11 =	vsel vm1, v11, v14;
	v12 =	vsel vm2, v15, v12;
	v14 =	vld [tilespmem:$0x110];
	v2 =	vsel vm3, $0x6, v20  }
0x7c: {  	vm4 =	vgt.f32 v9, v11;
	vm5 =	vgt.f32 v10, v16;
	vm0 =	vgt.f32 v6, v12;
	v15 =	vld [tilespmem:$0x290]  }
0x7d: {  	v20 =	vsel vm2, $0x1, v0;
	v8 =	vsel vm3, v8, v13;
	v23 =	vld [tilespmem:$0x190];
	vm2 =	vgt.f32 v7, v18  }
0x7e: {  	v10 =	vsel vm5, v10, v16;
	vm1 =	vgt.f32 v4, v8;
	v6 =	vsel vm0, v6, v12;
	v12 =	vld [tilespmem:$0x310]  }
0x7f: {  	v13 =	vsel vm4, $0x6, v21;
	v9 =	vsel vm4, v9, v11;
	v7 =	vsel vm2, v7, v18;
	v11 =	vld [tilespmem:$0x20]  }
0x80: {  	vm4 =	vgt.f32 v17, v9;
	v18 =	vsel vm5, $0x1, v0;
	v16 =	vld [tilespmem:$0x390];
	vm3 =	vgt.f32 v14, v7  }
0x81: {  	v4 =	vsel vm1, v4, v8;
	v21 =	vsel vm2, $0x1, v0;
	v7 =	vsel vm3, v14, v7;
	v14 =	vld [tilespmem:$0xA0]  }
0x82: {  	v8 =	vsel vm4, $0x7, v13;
	v13 =	vsel vm3, $0x2, v21;
	vm3 =	vgt.f32 v23, v7;
	v21 =	vld [tilespmem:$0x220]  }
0x83: {  	vm2 =	vgt.f32 v3, v6;
	v9 =	vsel vm4, v17, v9;
	v7 =	vsel vm3, v23, v7;
	v17 =	vld [tilespmem:$0x120]  }
0x84: {  	vm7 =	vgt.f32 v5, v10;
	v3 =	vsel vm2, v3, v6;
	vm6 =	vgt.f32 v15, v19;
	v6 =	vld [tilespmem:$0x2A0]  }
0x85: {  	v5 =	vsel vm7, v5, v10;
	v23 =	vmax.f32 v3, v9;
	[tilespmem:$0x480] =	vst v8;
	v8 =	vsel vm6, v15, v19  }
0x86: {  	vm5 =	vgt.f32 v22, v5;
	vm8 =	vgt.f32 v12, v8;
	v10 =	vld [tilespmem:$0x320];
	vm9 =	vgt.f32 v14, v11  }
0x87: {  	v5 =	vsel vm5, v22, v5;
	v8 =	vsel vm8, v12, v8;
	v12 =	vsel vm9, $0x1, v0  }
0x88: {  	v11 =	vsel vm9, v14, v11;
	v14 =	vmax.f32 v5, v4;
	vm4 =	vgt.f32 v16, v8  }
0x89: {  	vm9 =	vgt.f32 v17, v11;
	v8 =	vsel vm4, v16, v8;
	v15 =	vld [tilespmem:$0x1A0];
	v16 =	vsel vm7, $0x2, v18  }
0x8a: {  	vm7 =	vgt.f32 v6, v21;
	v12 =	vsel vm9, $0x2, v12;
	v18 =	vmax.f32 v7, v8;
	v19 =	vld [tilespmem:$0x3A0]  }
0x8b: {  	v22 =	vsel vm6, $0x5, v1;
	v4 =	vsub.f32 v4, v14;
	v6 =	vsel vm7, v6, v21  }
0x8c: {  	v21 =	vsel vm8, $0x6, v22;
	v22 =	vsel vm7, $0x5, v1;
	vm6 =	vgt.f32 v10, v6  }
0x8d: {  	v5 =	vsub.f32 v5, v14;
	v11 =	vsel vm9, v17, v11;
	v4 =	vmul.f32 $1.442695020e+00, v4  }
0x8e: {  	v8 =	vsub.f32 v8, v18;
	v6 =	vsel vm6, v10, v6;
	vm7 =	vgt.f32 v15, v11  }
0x8f: {  	v7 =	vsub.f32 v7, v18;
	vm8 =	vgt.f32 v19, v6;
	(erf) = vpow2.f32 v4  }
0x90: {  	v3 =	vsub.f32 v3, v23;
	v4 =	vsel vm6, $0x6, v22;
	v6 =	vsel vm8, v19, v6  }
0x91: {  	v10 =	vsel vm7, v15, v11;
	v11 =	vsel vm5, $0x3, v16;
	v4 =	vsel vm8, $0x7, v4  }
0x92: {  	v7 =	vmul.f32 $1.442695020e+00, v7;
	v12 =	vsel vm7, $0x3, v12;
	v14 =	vmax.f32 v10, v6;
	[tilespmem:$0x4A0] =	vst v4  }
0x93: {  	v3 =	vmul.f32 $1.442695020e+00, v3;
	v4 =	vsub.f32 v10, v14;
	v6 =	vsub.f32 v6, v14;
	[tilespmem:$0x420] =	vst v12  }
0x94: {  	v5 =	vmul.f32 $1.442695020e+00, v5;
	v10 =	vsel vm3, $0x3, v13;
	v12 =	vsel vm4, $0x7, v21;
	[tilespmem:$0x430] =	vst v11  }
0x95: {  	v9 =	vsub.f32 v9, v23;
	v11 =	vsel vm0, $0x2, v20;
	v4 =	vmul.f32 $1.442695020e+00, v4;
	[tilespmem:$0x410] =	vst v10  }
0x96: {  	v6 =	vmul.f32 $1.442695020e+00, v6;
	v10 =	vsel vm2, $0x3, v11;
	[tilespmem:$0x490] =	vst v12;
	(erf) = vpow2.f32 v3  }
0x97: {  	v3 =	vmul.f32 $1.442695020e+00, v9;
	v9 =	vsel vm1, $0x7, v2;
	[tilespmem:$0x400] =	vst v10;
	(erf) = vpow2.f32 v4  }
0x98: {  	[tilespmem:$0x4B0] =	vst v9;
	(erf) = vpow2.f32 v6;
	v2 =	vpop (erf)  }
0x99: {  	(erf) = vpow2.f32 v3  }
0x9a: {  	v3 =	vmul.f32 $1.442695020e+00, v8;
	(erf) = vpow2.f32 v5  }
.Ltmp1:
0x9b: {  	(erf) = vpow2.f32 v7;
	(pc) =	sbr.rel @p0 .LBB2_1-.Ltmp1, $2  }
0x9c: {  	(erf) = vpow2.f32 v3;
	_ =	sdelay $0x2  }
0x9d: {  	v3 =	vpop (erf)  }
.LBB2_2:
0x9e: {  	v0 =	vpop (erf)  }
0x9f: {  	v1 =	vpop (erf)  }
0xa0: {  	v4 =	vadd.f32 v1, v0  }
0xa1: {  	v5 =	vpop (erf)  }
0xa2: {  	v6 =	vadd.f32 v5, v3;
	(erf) = vrcp.f32 v4  }
0xa3: {  	v7 =	vpop (erf)  }
0xa4: {  	v53 =	vadd.f32 v2, v7;
	v8 =	vpop (erf);
	(erf) = vrcp.f32 v6  }
0xa5: {  	v54 =	vpop (erf)  }
0xa6: {  	v9 =	vadd.f32 v54, v8;
	(erf) = vrcp.f32 v53;
	_ =	sdelay $0x1  }
0xa7: {  	(erf) = vrcp.f32 v9;
	_ =	sdelay $0x2  }
0xa8: {  	v55 =	vpop (erf)  }
0xa9: {  	v1 =	vmul.f32 v55, v1  }
0xaa: {  	v56 =	vpop (erf);
	v0 =	vmul.f32 v55, v0  }
0xab: {  	v57 =	vmul.f32 v56, v3;
	[tilespmem:$0x5A0] =	vst v1  }
0xac: {  	v5 =	vmul.f32 v56, v5;
	v58 =	vpop (erf);
	[tilespmem:$0x520] =	vst v0  }
0xad: {  	v59 =	vmul.f32 v58, v7;
	[tilespmem:$0x500] =	vst v57  }
0xae: {  	v63 =	vmul.f32 v58, v2;
	v60 =	vpop (erf);
	[tilespmem:$0x580] =	vst v5  }
0xaf: {  	v61 =	vmul.f32 v60, v54;
	[tilespmem:$0x530] =	vst v59  }
0xb0: {  	v62 =	vmul.f32 v60, v8;
	[tilespmem:$0x5B0] =	vst v63  }
0xb1: {  	[tilespmem:$0x590] =	vst v61  }
0xb2: {  	[tilespmem:$0x510] =	vst v62  }
0xb3: {  	[hbm4b:s8+s2] =	stream.linear.scatter [tilespmem:s12], [sflag:$0x1], $0x40, $0x38;
	[tilespmem:$0x600] =	vst v63  }
0xb4: {  	_ =	swait.ge [sflag:s3], $0x40  }
0xb5: {  	[sflag:s3] =	ssyncset.done $0x0  }
0xb6: {  	[sflag:s3] =	ssyncadd.s32 $0xFFFFFFC0  }
0xb7: {  	[hbm4b:s6+s2] =	stream.linear.scatter [tilespmem:s10], [sflag:$0x1], $0x40, $0x38;
	[tilespmem:$0x600] =	vst v63  }
0xb8: {  	_ =	swait.ge [sflag:s3], $0x40  }
0xb9: {  	[sflag:s3] =	ssyncset.done $0x0  }
0xba: {  	[sflag:s3] =	ssyncadd.s32 $0xFFFFFFC0  }
0xbb: {  	[hbm4b:s7+s2] =	stream.linear.scatter [tilespmem:s11], [sflag:$0x1], $0x40, $0x38;
	[tilespmem:$0x600] =	vst v63  }
0xbc: {  	_ =	swait.ge [sflag:s3], $0x40  }
0xbd: {  	[sflag:s3] =	ssyncset.done $0x0  }
0xbe: {  	[sflag:s3] =	ssyncadd.s32 $0xFFFFFFC0  }
0xbf: {  	[hbm4b:s5+s2] =	stream.linear.scatter [tilespmem:s9], [sflag:$0x1], $0x40, $0x38;
	[tilespmem:$0x600] =	vst v63  }
0xc0: {  	_ =	swait.ge [sflag:s3], $0x40  }
0xc1: {  	[sflag:s3] =	ssyncset.done $0x0  }
0xc2: {  	[sflag:s3] =	ssyncadd.s32 $0xFFFFFFC0  }
0xc3: {  	_ =	sfence.sel $0x180000  }
0xc4: {  	[bflag:$0x0] =	sbarrier.arrive $0xFFFF  }
0xc5: {  	p0 =	sne.s32 s0, $0x0;
	_ =	strace $0x90000047  }
0xc6: {  	s0 =	sadd.s32 @!p0 $0x100000, s1;
	[bflag:$0x2] =	sbarrier.arrive $0xFFFF  }
0xc7: {  	[sflag:s0] =	ssyncadd.tile.s32 @!p0 $0x1;
	_ =	shalt  }
.Lfunc_end2:
_tile_overlayer_lowered:
.L_overlay_start_2:
0xc8: {  	(tag) =	ssettag $0x2  }
0xc9: {  	s0 =	rddreg [dreg:$0x0];
	s2 =	stileid.u32  }
0xca: {  	s1 =	rddreg [dreg:$0x1];
	p0 =	sne.s32 s2, $0x0  }
0xcb: {  	s3 =	rddreg [dreg:$0x2];
	[bflag:$0x3] =	sbarrier.arrive $0xFFFF;
	s2 =	simm.s32 @!p0 $0x1C01  }
0xcc: {  	[timem:s3], [sflag:s2] =	dma.local @!p0 [hbm:s0], s1  }
0xcd: {  	s0 =	simm.s32 @!p0 $0x1  }
0xce: {  	_ =	swait.ge @!p0 [sflag:s0], s1  }
0xcf: {  	s1 =	ssub.s32 @!p0 $0x0, s1;
	[sflag:s0] =	ssyncset.done @!p0 $0x0  }
0xd0: {  	[sflag:s0] =	ssyncadd.s32 @!p0 s1  }
0xd1: {  	[bflag:$0x3] =	sbarrier.arrive $0xFFFF  }
0xd2: {  	_ =	shalt  }

</sc_bundles>
